<compile_context>
chip_gen: v7x
topology: tpu7x:2x2x1
jax: 0.10.2.dev20260603
libtpu: 0.0.44.dev20260713+nightly
codegen_flags: <defaults>
</compile_context>

<pallas_src>
import jax
import jax.numpy as jnp
from jax.experimental import pallas as pl
from jax.experimental.pallas import tpu as pltpu

_B, _INPUT, _MEM, _W, _R, _K = 16, 512, 100000, 32, 4, 8
_C = _R * _K + 1
_DELTA = 0.005
_EPS = 1e-6
_BM = 10000
_NM = _MEM // _BM
_BIGF = 3e38
_BIGI = 2**30


def _knn_kernel(mem_ref, q_ref, visnew_ref, rp_ref, out_ref, dist_scratch):
    i = pl.program_id(1)
    mem = mem_ref[0]
    q = q_ref[0]
    ones = jnp.ones((1, _W), dtype=jnp.float32)
    dn = (((1,), (1,)), ((), ()))
    qn = jnp.sum(q * q, axis=1, keepdims=True)
    dots = jax.lax.dot_general(q, mem, dimension_numbers=dn,
                               preferred_element_type=jnp.float32)
    norms = jax.lax.dot_general(ones, mem * mem, dimension_numbers=dn,
                                preferred_element_type=jnp.float32,
                                precision=jax.lax.Precision.HIGHEST)
    d = norms - 2.0 * dots + qn

    visn = visnew_ref[0]
    fdots = jax.lax.dot_general(q, visn, dimension_numbers=dn,
                                preferred_element_type=jnp.float32)
    fnorm = jax.lax.dot_general(ones, visn * visn, dimension_numbers=dn,
                                preferred_element_type=jnp.float32,
                                precision=jax.lax.Precision.HIGHEST)
    fvals = fnorm - 2.0 * fdots + qn

    g = jax.lax.broadcasted_iota(jnp.int32, (1, _BM), 1) + i * _BM
    for j in range(_C):
        p = rp_ref[0, 0, j]
        d = jnp.where(g == p, fvals[:, j:j + 1], d)

    dist_scratch[pl.ds(i, 1)] = d[None]

    @pl.when(i == _NM - 1)
    def _():
        D = dist_scratch[...]
        gi = (jax.lax.broadcasted_iota(jnp.int32, (_NM, 1, _BM), 0) * _BM
              + jax.lax.broadcasted_iota(jnp.int32, (_NM, 1, _BM), 2))
        Dv = D
        for k in range(_K):
            t = jnp.min(Dv, axis=2, keepdims=True)
            mv = jnp.min(t, axis=0, keepdims=True)
            cand = jnp.where(Dv == mv, jnp.broadcast_to(gi, Dv.shape), _BIGI)
            c1 = jnp.min(cand, axis=2, keepdims=True)
            idx = jnp.min(c1, axis=0)
            out_ref[0, :, k:k + 1] = idx
            Dv = jnp.where(gi == idx[None], _BIGF, Dv)


def _topk_positions(memory, read_query, visnew, read_positions):
    return pl.pallas_call(
        _knn_kernel,
        grid=(_B, _NM),
        in_specs=[
            pl.BlockSpec((1, _BM, _W), lambda b, i: (b, i, 0)),
            pl.BlockSpec((1, _R, _W), lambda b, i: (b, 0, 0)),
            pl.BlockSpec((1, _C, _W), lambda b, i: (b, 0, 0)),
            pl.BlockSpec((1, 1, _C), lambda b, i: (b, 0, 0)),
        ],
        out_specs=pl.BlockSpec((1, _R, _K), lambda b, i: (b, 0, 0)),
        out_shape=jax.ShapeDtypeStruct((_B, _R, _K), jnp.int32),
        scratch_shapes=[pltpu.VMEM((_NM, _R, _BM), jnp.float32)],
    )(memory, read_query, visnew, read_positions[:, None, :])


def kernel(xi, memory, visible_memory, read_weights, write_weights, read_vectors,
           usage, least_used_mem, read_positions, W_rq, b_rq, W_wv, b_wv,
           W_ig, b_ig, W_wg, b_wg):
    b, m, w = memory.shape
    r, c = _R, _C
    read_query = (xi @ W_rq.T + b_rq).reshape(b, r, w)
    write_vector = (xi @ W_wv.T + b_wv).reshape(b, 1, w)
    interpolation_gate = jax.nn.sigmoid(xi @ W_ig.T + b_ig).reshape(b, c)
    write_gate = jax.nn.sigmoid(xi @ W_wg.T + b_wg).reshape(b, 1)
    rw_g = jnp.take_along_axis(read_weights, read_positions, axis=1)
    rel_usage = jnp.take_along_axis(usage, read_positions, axis=1)
    minusage = jnp.min(rel_usage, axis=-1, keepdims=True)
    Imask = (rel_usage == minusage).astype(jnp.float32)
    x = interpolation_gate * rw_g
    y = (1.0 - interpolation_gate) * Imask
    ww_new = write_gate * (x + y)
    visnew = visible_memory * (1.0 - Imask[:, :, None]) + ww_new[:, :, None] * write_vector
    mem_limit_reached = least_used_mem[0, 0] >= m - 1
    least_used_mem = jnp.where(mem_limit_reached,
                               jnp.full_like(least_used_mem, c + 1),
                               least_used_mem + 1)
    positions = _topk_positions(memory, read_query, visnew, read_positions)
    new_pos = jnp.concatenate([positions.reshape(b, r * _K), least_used_mem], axis=1)
    idx3 = jnp.broadcast_to(new_pos[:, :, None], (b, c, w))
    vis = jnp.take_along_axis(memory, idx3, axis=1)
    match = read_positions[:, None, :] == new_pos[:, :, None]
    jar = jnp.arange(c, dtype=jnp.int32)
    lastj = jnp.max(jnp.where(match, jar[None, None, :], -1), axis=-1)
    vis_fresh = jnp.take_along_axis(
        visnew, jnp.broadcast_to(jnp.clip(lastj, 0, c - 1)[:, :, None], (b, c, w)), axis=1)
    vis = jnp.where((lastj >= 0)[:, :, None], vis_fresh, vis)
    dot = jnp.einsum('bcw,brw->brc', vis, read_query)
    a_norm = jnp.linalg.norm(vis, axis=2)
    q_norm = jnp.linalg.norm(read_query, axis=2)
    cos = dot / (q_norm[:, :, None] * a_norm[:, None, :] + _EPS)
    rw_soft = jax.nn.softmax(cos, axis=2)
    new_read_vectors = jnp.einsum('brc,bcw->brw', rw_soft, vis)
    return new_read_vectors

# --- scband reference (transcript-rebuilt; emitter-appended) ---
"""Pipeline reference for scband-sparse-memory-37752762532643 (READ-ONLY COPY).

The authoritative reference and input builder live on the scoring server;
editing this copy changes nothing except your own understanding.
"""

import jax, jax.numpy as jnp
import numpy as np

B, INPUT_SIZE, MEM, W, R, K = 16, 512, 100000, 32, 4, 8
C = R * K + 1
DELTA = 0.005
EPS = 1e-6


def setup_inputs(seed: int = 0):
    key = jax.random.key(seed)
    ks = jax.random.split(key, 16)
    inp = {}
    inp['xi'] = jax.random.normal(ks[0], (B, INPUT_SIZE), dtype=jnp.float32)
    inp['memory'] = jax.random.normal(ks[1], (B, MEM, W), dtype=jnp.float32)
    inp['visible_memory'] = jax.random.normal(ks[2], (B, C, W), dtype=jnp.float32)
    inp['read_weights'] = jax.random.uniform(ks[3], (B, MEM), dtype=jnp.float32)
    inp['write_weights'] = jax.random.uniform(ks[4], (B, MEM), dtype=jnp.float32)
    inp['read_vectors'] = jax.random.normal(ks[5], (B, R, W), dtype=jnp.float32)
    inp['usage'] = jax.random.uniform(ks[6], (B, MEM), dtype=jnp.float32)
    inp['least_used_mem'] = jax.random.randint(ks[7], (B, 1), 0, MEM - 2, dtype=jnp.int32)
    inp['read_positions'] = jax.random.randint(ks[8], (B, C), 0, MEM, dtype=jnp.int32)
    sc = 1.0 / np.sqrt(INPUT_SIZE)
    inp['W_rq'] = jax.random.normal(ks[9], (R * W, INPUT_SIZE), dtype=jnp.float32) * sc
    inp['b_rq'] = jnp.zeros((R * W,), dtype=jnp.float32)
    inp['W_wv'] = jax.random.normal(ks[10], (W, INPUT_SIZE), dtype=jnp.float32) * sc
    inp['b_wv'] = jnp.zeros((W,), dtype=jnp.float32)
    inp['W_ig'] = jax.random.normal(ks[11], (C, INPUT_SIZE), dtype=jnp.float32) * sc
    inp['b_ig'] = jnp.zeros((C,), dtype=jnp.float32)
    inp['W_wg'] = jax.random.normal(ks[12], (1, INPUT_SIZE), dtype=jnp.float32) * sc
    inp['b_wg'] = jnp.zeros((1,), dtype=jnp.float32)
    return inp


def _forward(xi, memory, visible_memory, read_weights, write_weights, read_vectors, usage,
             W_rq, b_rq, W_wv, b_wv, W_ig, b_ig, W_wg, b_wg, least_used_mem, read_positions):
    b, m, w = memory.shape
    r, c = R, C
    timestep = 1.0
    # interface transforms (independent linears)
    read_query = (xi @ W_rq.T + b_rq).reshape(b, r, w)
    write_vector = (xi @ W_wv.T + b_wv).reshape(b, 1, w)
    interpolation_gate = jax.nn.sigmoid(xi @ W_ig.T + b_ig).reshape(b, c)
    write_gate = jax.nn.sigmoid(xi @ W_wg.T + b_wg).reshape(b, 1)
    batch_idx = jnp.arange(b)[:, None]
    # ---- write ----
    rw_g = jnp.take_along_axis(read_weights, read_positions, axis=1)
    ww_g = jnp.take_along_axis(write_weights, read_positions, axis=1)
    u = ((rw_g + ww_g) > DELTA).astype(jnp.float32)
    rel_usage = jnp.take_along_axis(usage, read_positions, axis=1)
    minusage = jnp.min(rel_usage, axis=-1, keepdims=True)
    Imask = (rel_usage == minusage).astype(jnp.float32)
    rel_usage_new = (timestep - rel_usage) * u + rel_usage * (1.0 - u)
    usage = usage.at[batch_idx, read_positions].set(rel_usage_new)
    x = interpolation_gate * rw_g
    y = (1.0 - interpolation_gate) * Imask
    ww_new = write_gate * (x + y)
    write_weights = write_weights.at[batch_idx, read_positions].set(ww_new)
    visible_memory = visible_memory * (1.0 - Imask[:, :, None]) + ww_new[:, :, None] * write_vector
    memory = memory.at[batch_idx, read_positions].set(visible_memory)
    mem_limit_reached = least_used_mem[0, 0] >= m - 1
    least_used_mem = jnp.where(mem_limit_reached, jnp.full_like(least_used_mem, c + 1), least_used_mem + 1)
    # ---- read: exact L2 knn search (SimpleIndex equivalent, non-differentiable) ----
    mem_sg = jax.lax.stop_gradient(memory)
    q_sg = jax.lax.stop_gradient(read_query)
    dots = jnp.einsum('brw,bmw->brm', q_sg, mem_sg)
    dists = jnp.sum(mem_sg * mem_sg, axis=-1)[:, None, :] - 2.0 * dots + jnp.sum(q_sg * q_sg, axis=-1)[:, :, None]
    _, positions = jax.lax.top_k(-dists, K)
    new_pos = jnp.concatenate([positions.reshape(b, r * K), least_used_mem], axis=1)
    idx3 = jnp.broadcast_to(new_pos[:, :, None], (b, c, w))
    vis = jnp.take_along_axis(memory, idx3, axis=1)
    # cosine similarity (theta) + softmax read weights
    dot = jnp.einsum('bcw,brw->brc', vis, read_query)
    a_norm = jnp.linalg.norm(vis, axis=2)
    q_norm = jnp.linalg.norm(read_query, axis=2)
    cos = dot / (q_norm[:, :, None] * a_norm[:, None, :] + EPS)
    rw_soft = jax.nn.softmax(cos, axis=2)
    new_read_vectors = jnp.einsum('brc,bcw->brw', rw_soft, vis)
    rw_prod = jnp.prod(rw_soft, axis=1)
    read_weights = read_weights.at[batch_idx, new_pos].set(rw_prod)
    return new_read_vectors


def reference(xi, memory, visible_memory, read_weights, write_weights, read_vectors, usage,
              least_used_mem, read_positions, W_rq, b_rq, W_wv, b_wv, W_ig, b_ig, W_wg, b_wg):
    return _forward(xi, memory, visible_memory, read_weights, write_weights, read_vectors, usage,
                    W_rq, b_rq, W_wv, b_wv, W_ig, b_ig, W_wg, b_wg, least_used_mem, read_positions)

if __name__ == "__main__":
    import jax
    _d = setup_inputs()
    print(jax.jit(kernel)(*tuple(_d.values())))

</pallas_src>

<mosaic_0001>
module attributes {stable_mosaic.version = 14 : i64} {
  func.func @_knn_kernel(%arg0: i32, %arg1: i32, %arg2: memref<1x10000x32xf32, #tpu.memory_space<vmem>>, %arg3: memref<1x4x32xf32, #tpu.memory_space<vmem>>, %arg4: memref<1x33x32xf32, #tpu.memory_space<vmem>>, %arg5: memref<1x1x33xi32, #tpu.memory_space<vmem>>, %arg6: memref<1x4x8xi32, #tpu.memory_space<vmem>>, %arg7: memref<10x4x10000xf32, #tpu.memory_space<vmem>>) attributes {dimension_semantics = [#tpu.dimension_semantics<arbitrary>, #tpu.dimension_semantics<arbitrary>], iteration_bounds = array<i64: 16, 10>, scalar_prefetch = 0 : i64, scratch_operands = 1 : i64, tpu.core_type = #tpu.core_type<tc>, window_params = [{transform_indices = @transform_0, window_bounds = array<i64: 1, 10000, 32>}, {transform_indices = @transform_1, window_bounds = array<i64: 1, 4, 32>}, {transform_indices = @transform_2, window_bounds = array<i64: 1, 33, 32>}, {transform_indices = @transform_3, window_bounds = array<i64: 1, 1, 33>}, {transform_indices = @transform_4, window_bounds = array<i64: 1, 4, 8>}]} {
    %get3A = arith.constant 0 : index
    %get3A_0 = arith.constant 0 : index
    %get3A_1 = arith.constant 0 : index
    %get3A_2 = vector.load %arg2[%get3A, %get3A_0, %get3A_1] : memref<1x10000x32xf32, #tpu.memory_space<vmem>>, vector<1x10000x32xf32>
    %get3A_3 = vector.shape_cast %get3A_2 : vector<1x10000x32xf32> to vector<10000x32xf32>
    %get3A_4 = arith.constant 0 : index
    %get3A_5 = arith.constant 0 : index
    %get3A_6 = arith.constant 0 : index
    %get3A_7 = vector.load %arg3[%get3A_4, %get3A_5, %get3A_6] : memref<1x4x32xf32, #tpu.memory_space<vmem>>, vector<1x4x32xf32>
    %get3A_8 = vector.shape_cast %get3A_7 : vector<1x4x32xf32> to vector<4x32xf32>
    %broadcast_in_dim3A = arith.constant 1.000000e+00 : f32
    %broadcast_in_dim3A_9 = vector.broadcast %broadcast_in_dim3A : f32 to vector<1x32xf32>
    %mul3A = arith.mulf %get3A_8, %get3A_8 : vector<4x32xf32>
    %reduce_sum3A = arith.constant dense<0.000000e+00> : vector<4xf32>
    %reduce_sum3A_10 = vector.multi_reduction <add>, %mul3A, %reduce_sum3A [1] : vector<4x32xf32> to vector<4xf32>
    %broadcast_in_dim3A_11 = vector.shape_cast %reduce_sum3A_10 : vector<4xf32> to vector<4x1xf32>
    %dot_general3A = arith.constant dense<0.000000e+00> : vector<4x10000xf32>
    %dot_general3A_12 = tpu.matmul %get3A_8, %get3A_3, %dot_general3A {dimension_numbers = #tpu.dot_dimension_numbers<[1], [1], [0], [0], [0, 0, 1, 0], [], []>, transpose_lhs_hint = false} : vector<4x32xf32>, vector<10000x32xf32>, vector<4x10000xf32> -> vector<4x10000xf32>
    %mul3A_13 = arith.mulf %get3A_3, %get3A_3 : vector<10000x32xf32>
    %dot_general3A_14 = arith.constant dense<0.000000e+00> : vector<1x10000xf32>
    %dot_general3A_15 = tpu.matmul %broadcast_in_dim3A_9, %mul3A_13, %dot_general3A_14 {dimension_numbers = #tpu.dot_dimension_numbers<[1], [1], [0], [0], [0, 0, 1, 0], [], []>, precision = #tpu.contract_precision<fp32>, transpose_lhs_hint = false} : vector<1x32xf32>, vector<10000x32xf32>, vector<1x10000xf32> -> vector<1x10000xf32>
    %mul3A_16 = arith.constant 2.000000e+00 : f32
    %mul3A_17 = vector.broadcast %mul3A_16 : f32 to vector<4x10000xf32>
    %mul3A_18 = arith.mulf %mul3A_17, %dot_general3A_12 : vector<4x10000xf32>
    %sub3A = vector.broadcast %dot_general3A_15 : vector<1x10000xf32> to vector<4x10000xf32>
    %sub3A_19 = arith.subf %sub3A, %mul3A_18 : vector<4x10000xf32>
    %add3A = vector.broadcast %broadcast_in_dim3A_11 : vector<4x1xf32> to vector<4x10000xf32>
    %add3A_20 = arith.addf %sub3A_19, %add3A : vector<4x10000xf32>
    %get3A_21 = arith.constant 0 : index
    %get3A_22 = arith.constant 0 : index
    %get3A_23 = arith.constant 0 : index
    %get3A_24 = vector.load %arg4[%get3A_21, %get3A_22, %get3A_23] : memref<1x33x32xf32, #tpu.memory_space<vmem>>, vector<1x33x32xf32>
    %get3A_25 = vector.shape_cast %get3A_24 : vector<1x33x32xf32> to vector<33x32xf32>
    %dot_general3A_26 = arith.constant dense<0.000000e+00> : vector<4x33xf32>
    %dot_general3A_27 = tpu.matmul %get3A_8, %get3A_25, %dot_general3A_26 {dimension_numbers = #tpu.dot_dimension_numbers<[1], [1], [0], [0], [0, 0, 1, 0], [], []>, transpose_lhs_hint = false} : vector<4x32xf32>, vector<33x32xf32>, vector<4x33xf32> -> vector<4x33xf32>
    %mul3A_28 = arith.mulf %get3A_25, %get3A_25 : vector<33x32xf32>
    %dot_general3A_29 = arith.constant dense<0.000000e+00> : vector<1x33xf32>
    %dot_general3A_30 = tpu.matmul %broadcast_in_dim3A_9, %mul3A_28, %dot_general3A_29 {dimension_numbers = #tpu.dot_dimension_numbers<[1], [1], [0], [0], [0, 0, 1, 0], [], []>, precision = #tpu.contract_precision<fp32>, transpose_lhs_hint = false} : vector<1x32xf32>, vector<33x32xf32>, vector<1x33xf32> -> vector<1x33xf32>
    %mul3A_31 = arith.constant 2.000000e+00 : f32
    %mul3A_32 = vector.broadcast %mul3A_31 : f32 to vector<4x33xf32>
    %mul3A_33 = arith.mulf %mul3A_32, %dot_general3A_27 : vector<4x33xf32>
    %sub3A_34 = vector.broadcast %dot_general3A_30 : vector<1x33xf32> to vector<4x33xf32>
    %sub3A_35 = arith.subf %sub3A_34, %mul3A_33 : vector<4x33xf32>
    %add3A_36 = vector.broadcast %broadcast_in_dim3A_11 : vector<4x1xf32> to vector<4x33xf32>
    %add3A_37 = arith.addf %sub3A_35, %add3A_36 : vector<4x33xf32>
    %iota3A = tpu.iota {dimensions = array<i32: 1>} : vector<1x10000xi32>
    %mul3A_38 = arith.constant 10000 : i32
    %mul3A_39 = arith.muli %arg1, %mul3A_38 : i32
    %add3A_40 = vector.broadcast %mul3A_39 : i32 to vector<1x10000xi32>
    %add3A_41 = arith.addi %iota3A, %add3A_40 : vector<1x10000xi32>
    %get3A_42 = arith.constant 0 : index
    %get3A_43 = arith.constant 0 : index
    %get3A_44 = arith.constant 0 : index
    %get3A_45 = vector.load %arg5[%get3A_42, %get3A_43, %get3A_44] : memref<1x1x33xi32, #tpu.memory_space<vmem>>, vector<1x1x1xi32>
    %get3A_46 = vector.extract %get3A_45[0, 0, 0] : i32 from vector<1x1x1xi32>
    %eq3A = vector.broadcast %get3A_46 : i32 to vector<1x10000xi32>
    %eq3A_47 = arith.cmpi eq, %add3A_41, %eq3A : vector<1x10000xi32>
    %slice3A = vector.extract_strided_slice %add3A_37 {offsets = [0, 0], sizes = [4, 1], strides = [1, 1]} : vector<4x33xf32> to vector<4x1xf32>
    %broadcast_in_dim3A_48 = vector.shape_cast %eq3A_47 : vector<1x10000xi1> to vector<1x10000xi1>
    %broadcast_in_dim3A_49 = vector.broadcast %broadcast_in_dim3A_48 : vector<1x10000xi1> to vector<4x10000xi1>
    %broadcast_in_dim3A_50 = vector.shape_cast %slice3A : vector<4x1xf32> to vector<4x1xf32>
    %broadcast_in_dim3A_51 = vector.broadcast %broadcast_in_dim3A_50 : vector<4x1xf32> to vector<4x10000xf32>
    %select_n3A = arith.select %broadcast_in_dim3A_49, %broadcast_in_dim3A_51, %add3A_20 : vector<4x10000xi1>, vector<4x10000xf32>
    %get3A_52 = arith.constant 0 : index
    %get3A_53 = arith.constant 0 : index
    %get3A_54 = arith.constant 1 : index
    %get3A_55 = vector.load %arg5[%get3A_52, %get3A_53, %get3A_54] : memref<1x1x33xi32, #tpu.memory_space<vmem>>, vector<1x1x1xi32>
    %get3A_56 = vector.extract %get3A_55[0, 0, 0] : i32 from vector<1x1x1xi32>
    %eq3A_57 = vector.broadcast %get3A_56 : i32 to vector<1x10000xi32>
    %eq3A_58 = arith.cmpi eq, %add3A_41, %eq3A_57 : vector<1x10000xi32>
    %slice3A_59 = vector.extract_strided_slice %add3A_37 {offsets = [0, 1], sizes = [4, 1], strides = [1, 1]} : vector<4x33xf32> to vector<4x1xf32>
    %broadcast_in_dim3A_60 = vector.shape_cast %eq3A_58 : vector<1x10000xi1> to vector<1x10000xi1>
    %broadcast_in_dim3A_61 = vector.broadcast %broadcast_in_dim3A_60 : vector<1x10000xi1> to vector<4x10000xi1>
    %broadcast_in_dim3A_62 = vector.shape_cast %slice3A_59 : vector<4x1xf32> to vector<4x1xf32>
    %broadcast_in_dim3A_63 = vector.broadcast %broadcast_in_dim3A_62 : vector<4x1xf32> to vector<4x10000xf32>
    %select_n3A_64 = arith.select %broadcast_in_dim3A_61, %broadcast_in_dim3A_63, %select_n3A : vector<4x10000xi1>, vector<4x10000xf32>
    %get3A_65 = arith.constant 0 : index
    %get3A_66 = arith.constant 0 : index
    %get3A_67 = arith.constant 2 : index
    %get3A_68 = vector.load %arg5[%get3A_65, %get3A_66, %get3A_67] : memref<1x1x33xi32, #tpu.memory_space<vmem>>, vector<1x1x1xi32>
    %get3A_69 = vector.extract %get3A_68[0, 0, 0] : i32 from vector<1x1x1xi32>
    %eq3A_70 = vector.broadcast %get3A_69 : i32 to vector<1x10000xi32>
    %eq3A_71 = arith.cmpi eq, %add3A_41, %eq3A_70 : vector<1x10000xi32>
    %slice3A_72 = vector.extract_strided_slice %add3A_37 {offsets = [0, 2], sizes = [4, 1], strides = [1, 1]} : vector<4x33xf32> to vector<4x1xf32>
    %broadcast_in_dim3A_73 = vector.shape_cast %eq3A_71 : vector<1x10000xi1> to vector<1x10000xi1>
    %broadcast_in_dim3A_74 = vector.broadcast %broadcast_in_dim3A_73 : vector<1x10000xi1> to vector<4x10000xi1>
    %broadcast_in_dim3A_75 = vector.shape_cast %slice3A_72 : vector<4x1xf32> to vector<4x1xf32>
    %broadcast_in_dim3A_76 = vector.broadcast %broadcast_in_dim3A_75 : vector<4x1xf32> to vector<4x10000xf32>
    %select_n3A_77 = arith.select %broadcast_in_dim3A_74, %broadcast_in_dim3A_76, %select_n3A_64 : vector<4x10000xi1>, vector<4x10000xf32>
    %get3A_78 = arith.constant 0 : index
    %get3A_79 = arith.constant 0 : index
    %get3A_80 = arith.constant 3 : index
    %get3A_81 = vector.load %arg5[%get3A_78, %get3A_79, %get3A_80] : memref<1x1x33xi32, #tpu.memory_space<vmem>>, vector<1x1x1xi32>
    %get3A_82 = vector.extract %get3A_81[0, 0, 0] : i32 from vector<1x1x1xi32>
    %eq3A_83 = vector.broadcast %get3A_82 : i32 to vector<1x10000xi32>
    %eq3A_84 = arith.cmpi eq, %add3A_41, %eq3A_83 : vector<1x10000xi32>
    %slice3A_85 = vector.extract_strided_slice %add3A_37 {offsets = [0, 3], sizes = [4, 1], strides = [1, 1]} : vector<4x33xf32> to vector<4x1xf32>
    %broadcast_in_dim3A_86 = vector.shape_cast %eq3A_84 : vector<1x10000xi1> to vector<1x10000xi1>
    %broadcast_in_dim3A_87 = vector.broadcast %broadcast_in_dim3A_86 : vector<1x10000xi1> to vector<4x10000xi1>
    %broadcast_in_dim3A_88 = vector.shape_cast %slice3A_85 : vector<4x1xf32> to vector<4x1xf32>
    %broadcast_in_dim3A_89 = vector.broadcast %broadcast_in_dim3A_88 : vector<4x1xf32> to vector<4x10000xf32>
    %select_n3A_90 = arith.select %broadcast_in_dim3A_87, %broadcast_in_dim3A_89, %select_n3A_77 : vector<4x10000xi1>, vector<4x10000xf32>
    %get3A_91 = arith.constant 0 : index
    %get3A_92 = arith.constant 0 : index
    %get3A_93 = arith.constant 4 : index
    %get3A_94 = vector.load %arg5[%get3A_91, %get3A_92, %get3A_93] : memref<1x1x33xi32, #tpu.memory_space<vmem>>, vector<1x1x1xi32>
    %get3A_95 = vector.extract %get3A_94[0, 0, 0] : i32 from vector<1x1x1xi32>
    %eq3A_96 = vector.broadcast %get3A_95 : i32 to vector<1x10000xi32>
    %eq3A_97 = arith.cmpi eq, %add3A_41, %eq3A_96 : vector<1x10000xi32>
    %slice3A_98 = vector.extract_strided_slice %add3A_37 {offsets = [0, 4], sizes = [4, 1], strides = [1, 1]} : vector<4x33xf32> to vector<4x1xf32>
    %broadcast_in_dim3A_99 = vector.shape_cast %eq3A_97 : vector<1x10000xi1> to vector<1x10000xi1>
    %broadcast_in_dim3A_100 = vector.broadcast %broadcast_in_dim3A_99 : vector<1x10000xi1> to vector<4x10000xi1>
    %broadcast_in_dim3A_101 = vector.shape_cast %slice3A_98 : vector<4x1xf32> to vector<4x1xf32>
    %broadcast_in_dim3A_102 = vector.broadcast %broadcast_in_dim3A_101 : vector<4x1xf32> to vector<4x10000xf32>
    %select_n3A_103 = arith.select %broadcast_in_dim3A_100, %broadcast_in_dim3A_102, %select_n3A_90 : vector<4x10000xi1>, vector<4x10000xf32>
    %get3A_104 = arith.constant 0 : index
    %get3A_105 = arith.constant 0 : index
    %get3A_106 = arith.constant 5 : index
    %get3A_107 = vector.load %arg5[%get3A_104, %get3A_105, %get3A_106] : memref<1x1x33xi32, #tpu.memory_space<vmem>>, vector<1x1x1xi32>
    %get3A_108 = vector.extract %get3A_107[0, 0, 0] : i32 from vector<1x1x1xi32>
    %eq3A_109 = vector.broadcast %get3A_108 : i32 to vector<1x10000xi32>
    %eq3A_110 = arith.cmpi eq, %add3A_41, %eq3A_109 : vector<1x10000xi32>
    %slice3A_111 = vector.extract_strided_slice %add3A_37 {offsets = [0, 5], sizes = [4, 1], strides = [1, 1]} : vector<4x33xf32> to vector<4x1xf32>
    %broadcast_in_dim3A_112 = vector.shape_cast %eq3A_110 : vector<1x10000xi1> to vector<1x10000xi1>
    %broadcast_in_dim3A_113 = vector.broadcast %broadcast_in_dim3A_112 : vector<1x10000xi1> to vector<4x10000xi1>
    %broadcast_in_dim3A_114 = vector.shape_cast %slice3A_111 : vector<4x1xf32> to vector<4x1xf32>
    %broadcast_in_dim3A_115 = vector.broadcast %broadcast_in_dim3A_114 : vector<4x1xf32> to vector<4x10000xf32>
    %select_n3A_116 = arith.select %broadcast_in_dim3A_113, %broadcast_in_dim3A_115, %select_n3A_103 : vector<4x10000xi1>, vector<4x10000xf32>
    %get3A_117 = arith.constant 0 : index
    %get3A_118 = arith.constant 0 : index
    %get3A_119 = arith.constant 6 : index
    %get3A_120 = vector.load %arg5[%get3A_117, %get3A_118, %get3A_119] : memref<1x1x33xi32, #tpu.memory_space<vmem>>, vector<1x1x1xi32>
    %get3A_121 = vector.extract %get3A_120[0, 0, 0] : i32 from vector<1x1x1xi32>
    %eq3A_122 = vector.broadcast %get3A_121 : i32 to vector<1x10000xi32>
    %eq3A_123 = arith.cmpi eq, %add3A_41, %eq3A_122 : vector<1x10000xi32>
    %slice3A_124 = vector.extract_strided_slice %add3A_37 {offsets = [0, 6], sizes = [4, 1], strides = [1, 1]} : vector<4x33xf32> to vector<4x1xf32>
    %broadcast_in_dim3A_125 = vector.shape_cast %eq3A_123 : vector<1x10000xi1> to vector<1x10000xi1>
    %broadcast_in_dim3A_126 = vector.broadcast %broadcast_in_dim3A_125 : vector<1x10000xi1> to vector<4x10000xi1>
    %broadcast_in_dim3A_127 = vector.shape_cast %slice3A_124 : vector<4x1xf32> to vector<4x1xf32>
    %broadcast_in_dim3A_128 = vector.broadcast %broadcast_in_dim3A_127 : vector<4x1xf32> to vector<4x10000xf32>
    %select_n3A_129 = arith.select %broadcast_in_dim3A_126, %broadcast_in_dim3A_128, %select_n3A_116 : vector<4x10000xi1>, vector<4x10000xf32>
    %get3A_130 = arith.constant 0 : index
    %get3A_131 = arith.constant 0 : index
    %get3A_132 = arith.constant 7 : index
    %get3A_133 = vector.load %arg5[%get3A_130, %get3A_131, %get3A_132] : memref<1x1x33xi32, #tpu.memory_space<vmem>>, vector<1x1x1xi32>
    %get3A_134 = vector.extract %get3A_133[0, 0, 0] : i32 from vector<1x1x1xi32>
    %eq3A_135 = vector.broadcast %get3A_134 : i32 to vector<1x10000xi32>
    %eq3A_136 = arith.cmpi eq, %add3A_41, %eq3A_135 : vector<1x10000xi32>
    %slice3A_137 = vector.extract_strided_slice %add3A_37 {offsets = [0, 7], sizes = [4, 1], strides = [1, 1]} : vector<4x33xf32> to vector<4x1xf32>
    %broadcast_in_dim3A_138 = vector.shape_cast %eq3A_136 : vector<1x10000xi1> to vector<1x10000xi1>
    %broadcast_in_dim3A_139 = vector.broadcast %broadcast_in_dim3A_138 : vector<1x10000xi1> to vector<4x10000xi1>
    %broadcast_in_dim3A_140 = vector.shape_cast %slice3A_137 : vector<4x1xf32> to vector<4x1xf32>
    %broadcast_in_dim3A_141 = vector.broadcast %broadcast_in_dim3A_140 : vector<4x1xf32> to vector<4x10000xf32>
    %select_n3A_142 = arith.select %broadcast_in_dim3A_139, %broadcast_in_dim3A_141, %select_n3A_129 : vector<4x10000xi1>, vector<4x10000xf32>
    %get3A_143 = arith.constant 0 : index
    %get3A_144 = arith.constant 0 : index
    %get3A_145 = arith.constant 8 : index
    %get3A_146 = vector.load %arg5[%get3A_143, %get3A_144, %get3A_145] : memref<1x1x33xi32, #tpu.memory_space<vmem>>, vector<1x1x1xi32>
    %get3A_147 = vector.extract %get3A_146[0, 0, 0] : i32 from vector<1x1x1xi32>
    %eq3A_148 = vector.broadcast %get3A_147 : i32 to vector<1x10000xi32>
    %eq3A_149 = arith.cmpi eq, %add3A_41, %eq3A_148 : vector<1x10000xi32>
    %slice3A_150 = vector.extract_strided_slice %add3A_37 {offsets = [0, 8], sizes = [4, 1], strides = [1, 1]} : vector<4x33xf32> to vector<4x1xf32>
    %broadcast_in_dim3A_151 = vector.shape_cast %eq3A_149 : vector<1x10000xi1> to vector<1x10000xi1>
    %broadcast_in_dim3A_152 = vector.broadcast %broadcast_in_dim3A_151 : vector<1x10000xi1> to vector<4x10000xi1>
    %broadcast_in_dim3A_153 = vector.shape_cast %slice3A_150 : vector<4x1xf32> to vector<4x1xf32>
    %broadcast_in_dim3A_154 = vector.broadcast %broadcast_in_dim3A_153 : vector<4x1xf32> to vector<4x10000xf32>
    %select_n3A_155 = arith.select %broadcast_in_dim3A_152, %broadcast_in_dim3A_154, %select_n3A_142 : vector<4x10000xi1>, vector<4x10000xf32>
    %get3A_156 = arith.constant 0 : index
    %get3A_157 = arith.constant 0 : index
    %get3A_158 = arith.constant 9 : index
    %get3A_159 = vector.load %arg5[%get3A_156, %get3A_157, %get3A_158] : memref<1x1x33xi32, #tpu.memory_space<vmem>>, vector<1x1x1xi32>
    %get3A_160 = vector.extract %get3A_159[0, 0, 0] : i32 from vector<1x1x1xi32>
    %eq3A_161 = vector.broadcast %get3A_160 : i32 to vector<1x10000xi32>
    %eq3A_162 = arith.cmpi eq, %add3A_41, %eq3A_161 : vector<1x10000xi32>
    %slice3A_163 = vector.extract_strided_slice %add3A_37 {offsets = [0, 9], sizes = [4, 1], strides = [1, 1]} : vector<4x33xf32> to vector<4x1xf32>
    %broadcast_in_dim3A_164 = vector.shape_cast %eq3A_162 : vector<1x10000xi1> to vector<1x10000xi1>
    %broadcast_in_dim3A_165 = vector.broadcast %broadcast_in_dim3A_164 : vector<1x10000xi1> to vector<4x10000xi1>
    %broadcast_in_dim3A_166 = vector.shape_cast %slice3A_163 : vector<4x1xf32> to vector<4x1xf32>
    %broadcast_in_dim3A_167 = vector.broadcast %broadcast_in_dim3A_166 : vector<4x1xf32> to vector<4x10000xf32>
    %select_n3A_168 = arith.select %broadcast_in_dim3A_165, %broadcast_in_dim3A_167, %select_n3A_155 : vector<4x10000xi1>, vector<4x10000xf32>
    %get3A_169 = arith.constant 0 : index
    %get3A_170 = arith.constant 0 : index
    %get3A_171 = arith.constant 10 : index
    %get3A_172 = vector.load %arg5[%get3A_169, %get3A_170, %get3A_171] : memref<1x1x33xi32, #tpu.memory_space<vmem>>, vector<1x1x1xi32>
    %get3A_173 = vector.extract %get3A_172[0, 0, 0] : i32 from vector<1x1x1xi32>
    %eq3A_174 = vector.broadcast %get3A_173 : i32 to vector<1x10000xi32>
    %eq3A_175 = arith.cmpi eq, %add3A_41, %eq3A_174 : vector<1x10000xi32>
    %slice3A_176 = vector.extract_strided_slice %add3A_37 {offsets = [0, 10], sizes = [4, 1], strides = [1, 1]} : vector<4x33xf32> to vector<4x1xf32>
    %broadcast_in_dim3A_177 = vector.shape_cast %eq3A_175 : vector<1x10000xi1> to vector<1x10000xi1>
    %broadcast_in_dim3A_178 = vector.broadcast %broadcast_in_dim3A_177 : vector<1x10000xi1> to vector<4x10000xi1>
    %broadcast_in_dim3A_179 = vector.shape_cast %slice3A_176 : vector<4x1xf32> to vector<4x1xf32>
    %broadcast_in_dim3A_180 = vector.broadcast %broadcast_in_dim3A_179 : vector<4x1xf32> to vector<4x10000xf32>
    %select_n3A_181 = arith.select %broadcast_in_dim3A_178, %broadcast_in_dim3A_180, %select_n3A_168 : vector<4x10000xi1>, vector<4x10000xf32>
    %get3A_182 = arith.constant 0 : index
    %get3A_183 = arith.constant 0 : index
    %get3A_184 = arith.constant 11 : index
    %get3A_185 = vector.load %arg5[%get3A_182, %get3A_183, %get3A_184] : memref<1x1x33xi32, #tpu.memory_space<vmem>>, vector<1x1x1xi32>
    %get3A_186 = vector.extract %get3A_185[0, 0, 0] : i32 from vector<1x1x1xi32>
    %eq3A_187 = vector.broadcast %get3A_186 : i32 to vector<1x10000xi32>
    %eq3A_188 = arith.cmpi eq, %add3A_41, %eq3A_187 : vector<1x10000xi32>
    %slice3A_189 = vector.extract_strided_slice %add3A_37 {offsets = [0, 11], sizes = [4, 1], strides = [1, 1]} : vector<4x33xf32> to vector<4x1xf32>
    %broadcast_in_dim3A_190 = vector.shape_cast %eq3A_188 : vector<1x10000xi1> to vector<1x10000xi1>
    %broadcast_in_dim3A_191 = vector.broadcast %broadcast_in_dim3A_190 : vector<1x10000xi1> to vector<4x10000xi1>
    %broadcast_in_dim3A_192 = vector.shape_cast %slice3A_189 : vector<4x1xf32> to vector<4x1xf32>
    %broadcast_in_dim3A_193 = vector.broadcast %broadcast_in_dim3A_192 : vector<4x1xf32> to vector<4x10000xf32>
    %select_n3A_194 = arith.select %broadcast_in_dim3A_191, %broadcast_in_dim3A_193, %select_n3A_181 : vector<4x10000xi1>, vector<4x10000xf32>
    %get3A_195 = arith.constant 0 : index
    %get3A_196 = arith.constant 0 : index
    %get3A_197 = arith.constant 12 : index
    %get3A_198 = vector.load %arg5[%get3A_195, %get3A_196, %get3A_197] : memref<1x1x33xi32, #tpu.memory_space<vmem>>, vector<1x1x1xi32>
    %get3A_199 = vector.extract %get3A_198[0, 0, 0] : i32 from vector<1x1x1xi32>
    %eq3A_200 = vector.broadcast %get3A_199 : i32 to vector<1x10000xi32>
    %eq3A_201 = arith.cmpi eq, %add3A_41, %eq3A_200 : vector<1x10000xi32>
    %slice3A_202 = vector.extract_strided_slice %add3A_37 {offsets = [0, 12], sizes = [4, 1], strides = [1, 1]} : vector<4x33xf32> to vector<4x1xf32>
    %broadcast_in_dim3A_203 = vector.shape_cast %eq3A_201 : vector<1x10000xi1> to vector<1x10000xi1>
    %broadcast_in_dim3A_204 = vector.broadcast %broadcast_in_dim3A_203 : vector<1x10000xi1> to vector<4x10000xi1>
    %broadcast_in_dim3A_205 = vector.shape_cast %slice3A_202 : vector<4x1xf32> to vector<4x1xf32>
    %broadcast_in_dim3A_206 = vector.broadcast %broadcast_in_dim3A_205 : vector<4x1xf32> to vector<4x10000xf32>
    %select_n3A_207 = arith.select %broadcast_in_dim3A_204, %broadcast_in_dim3A_206, %select_n3A_194 : vector<4x10000xi1>, vector<4x10000xf32>
    %get3A_208 = arith.constant 0 : index
    %get3A_209 = arith.constant 0 : index
    %get3A_210 = arith.constant 13 : index
    %get3A_211 = vector.load %arg5[%get3A_208, %get3A_209, %get3A_210] : memref<1x1x33xi32, #tpu.memory_space<vmem>>, vector<1x1x1xi32>
    %get3A_212 = vector.extract %get3A_211[0, 0, 0] : i32 from vector<1x1x1xi32>
    %eq3A_213 = vector.broadcast %get3A_212 : i32 to vector<1x10000xi32>
    %eq3A_214 = arith.cmpi eq, %add3A_41, %eq3A_213 : vector<1x10000xi32>
    %slice3A_215 = vector.extract_strided_slice %add3A_37 {offsets = [0, 13], sizes = [4, 1], strides = [1, 1]} : vector<4x33xf32> to vector<4x1xf32>
    %broadcast_in_dim3A_216 = vector.shape_cast %eq3A_214 : vector<1x10000xi1> to vector<1x10000xi1>
    %broadcast_in_dim3A_217 = vector.broadcast %broadcast_in_dim3A_216 : vector<1x10000xi1> to vector<4x10000xi1>
    %broadcast_in_dim3A_218 = vector.shape_cast %slice3A_215 : vector<4x1xf32> to vector<4x1xf32>
    %broadcast_in_dim3A_219 = vector.broadcast %broadcast_in_dim3A_218 : vector<4x1xf32> to vector<4x10000xf32>
    %select_n3A_220 = arith.select %broadcast_in_dim3A_217, %broadcast_in_dim3A_219, %select_n3A_207 : vector<4x10000xi1>, vector<4x10000xf32>
    %get3A_221 = arith.constant 0 : index
    %get3A_222 = arith.constant 0 : index
    %get3A_223 = arith.constant 14 : index
    %get3A_224 = vector.load %arg5[%get3A_221, %get3A_222, %get3A_223] : memref<1x1x33xi32, #tpu.memory_space<vmem>>, vector<1x1x1xi32>
    %get3A_225 = vector.extract %get3A_224[0, 0, 0] : i32 from vector<1x1x1xi32>
    %eq3A_226 = vector.broadcast %get3A_225 : i32 to vector<1x10000xi32>
    %eq3A_227 = arith.cmpi eq, %add3A_41, %eq3A_226 : vector<1x10000xi32>
    %slice3A_228 = vector.extract_strided_slice %add3A_37 {offsets = [0, 14], sizes = [4, 1], strides = [1, 1]} : vector<4x33xf32> to vector<4x1xf32>
    %broadcast_in_dim3A_229 = vector.shape_cast %eq3A_227 : vector<1x10000xi1> to vector<1x10000xi1>
    %broadcast_in_dim3A_230 = vector.broadcast %broadcast_in_dim3A_229 : vector<1x10000xi1> to vector<4x10000xi1>
    %broadcast_in_dim3A_231 = vector.shape_cast %slice3A_228 : vector<4x1xf32> to vector<4x1xf32>
    %broadcast_in_dim3A_232 = vector.broadcast %broadcast_in_dim3A_231 : vector<4x1xf32> to vector<4x10000xf32>
    %select_n3A_233 = arith.select %broadcast_in_dim3A_230, %broadcast_in_dim3A_232, %select_n3A_220 : vector<4x10000xi1>, vector<4x10000xf32>
    %get3A_234 = arith.constant 0 : index
    %get3A_235 = arith.constant 0 : index
    %get3A_236 = arith.constant 15 : index
    %get3A_237 = vector.load %arg5[%get3A_234, %get3A_235, %get3A_236] : memref<1x1x33xi32, #tpu.memory_space<vmem>>, vector<1x1x1xi32>
    %get3A_238 = vector.extract %get3A_237[0, 0, 0] : i32 from vector<1x1x1xi32>
    %eq3A_239 = vector.broadcast %get3A_238 : i32 to vector<1x10000xi32>
    %eq3A_240 = arith.cmpi eq, %add3A_41, %eq3A_239 : vector<1x10000xi32>
    %slice3A_241 = vector.extract_strided_slice %add3A_37 {offsets = [0, 15], sizes = [4, 1], strides = [1, 1]} : vector<4x33xf32> to vector<4x1xf32>
    %broadcast_in_dim3A_242 = vector.shape_cast %eq3A_240 : vector<1x10000xi1> to vector<1x10000xi1>
    %broadcast_in_dim3A_243 = vector.broadcast %broadcast_in_dim3A_242 : vector<1x10000xi1> to vector<4x10000xi1>
    %broadcast_in_dim3A_244 = vector.shape_cast %slice3A_241 : vector<4x1xf32> to vector<4x1xf32>
    %broadcast_in_dim3A_245 = vector.broadcast %broadcast_in_dim3A_244 : vector<4x1xf32> to vector<4x10000xf32>
    %select_n3A_246 = arith.select %broadcast_in_dim3A_243, %broadcast_in_dim3A_245, %select_n3A_233 : vector<4x10000xi1>, vector<4x10000xf32>
    %get3A_247 = arith.constant 0 : index
    %get3A_248 = arith.constant 0 : index
    %get3A_249 = arith.constant 16 : index
    %get3A_250 = vector.load %arg5[%get3A_247, %get3A_248, %get3A_249] : memref<1x1x33xi32, #tpu.memory_space<vmem>>, vector<1x1x1xi32>
    %get3A_251 = vector.extract %get3A_250[0, 0, 0] : i32 from vector<1x1x1xi32>
    %eq3A_252 = vector.broadcast %get3A_251 : i32 to vector<1x10000xi32>
    %eq3A_253 = arith.cmpi eq, %add3A_41, %eq3A_252 : vector<1x10000xi32>
    %slice3A_254 = vector.extract_strided_slice %add3A_37 {offsets = [0, 16], sizes = [4, 1], strides = [1, 1]} : vector<4x33xf32> to vector<4x1xf32>
    %broadcast_in_dim3A_255 = vector.shape_cast %eq3A_253 : vector<1x10000xi1> to vector<1x10000xi1>
    %broadcast_in_dim3A_256 = vector.broadcast %broadcast_in_dim3A_255 : vector<1x10000xi1> to vector<4x10000xi1>
    %broadcast_in_dim3A_257 = vector.shape_cast %slice3A_254 : vector<4x1xf32> to vector<4x1xf32>
    %broadcast_in_dim3A_258 = vector.broadcast %broadcast_in_dim3A_257 : vector<4x1xf32> to vector<4x10000xf32>
    %select_n3A_259 = arith.select %broadcast_in_dim3A_256, %broadcast_in_dim3A_258, %select_n3A_246 : vector<4x10000xi1>, vector<4x10000xf32>
    %get3A_260 = arith.constant 0 : index
    %get3A_261 = arith.constant 0 : index
    %get3A_262 = arith.constant 17 : index
    %get3A_263 = vector.load %arg5[%get3A_260, %get3A_261, %get3A_262] : memref<1x1x33xi32, #tpu.memory_space<vmem>>, vector<1x1x1xi32>
    %get3A_264 = vector.extract %get3A_263[0, 0, 0] : i32 from vector<1x1x1xi32>
    %eq3A_265 = vector.broadcast %get3A_264 : i32 to vector<1x10000xi32>
    %eq3A_266 = arith.cmpi eq, %add3A_41, %eq3A_265 : vector<1x10000xi32>
    %slice3A_267 = vector.extract_strided_slice %add3A_37 {offsets = [0, 17], sizes = [4, 1], strides = [1, 1]} : vector<4x33xf32> to vector<4x1xf32>
    %broadcast_in_dim3A_268 = vector.shape_cast %eq3A_266 : vector<1x10000xi1> to vector<1x10000xi1>
    %broadcast_in_dim3A_269 = vector.broadcast %broadcast_in_dim3A_268 : vector<1x10000xi1> to vector<4x10000xi1>
    %broadcast_in_dim3A_270 = vector.shape_cast %slice3A_267 : vector<4x1xf32> to vector<4x1xf32>
    %broadcast_in_dim3A_271 = vector.broadcast %broadcast_in_dim3A_270 : vector<4x1xf32> to vector<4x10000xf32>
    %select_n3A_272 = arith.select %broadcast_in_dim3A_269, %broadcast_in_dim3A_271, %select_n3A_259 : vector<4x10000xi1>, vector<4x10000xf32>
    %get3A_273 = arith.constant 0 : index
    %get3A_274 = arith.constant 0 : index
    %get3A_275 = arith.constant 18 : index
    %get3A_276 = vector.load %arg5[%get3A_273, %get3A_274, %get3A_275] : memref<1x1x33xi32, #tpu.memory_space<vmem>>, vector<1x1x1xi32>
    %get3A_277 = vector.extract %get3A_276[0, 0, 0] : i32 from vector<1x1x1xi32>
    %eq3A_278 = vector.broadcast %get3A_277 : i32 to vector<1x10000xi32>
    %eq3A_279 = arith.cmpi eq, %add3A_41, %eq3A_278 : vector<1x10000xi32>
    %slice3A_280 = vector.extract_strided_slice %add3A_37 {offsets = [0, 18], sizes = [4, 1], strides = [1, 1]} : vector<4x33xf32> to vector<4x1xf32>
    %broadcast_in_dim3A_281 = vector.shape_cast %eq3A_279 : vector<1x10000xi1> to vector<1x10000xi1>
    %broadcast_in_dim3A_282 = vector.broadcast %broadcast_in_dim3A_281 : vector<1x10000xi1> to vector<4x10000xi1>
    %broadcast_in_dim3A_283 = vector.shape_cast %slice3A_280 : vector<4x1xf32> to vector<4x1xf32>
    %broadcast_in_dim3A_284 = vector.broadcast %broadcast_in_dim3A_283 : vector<4x1xf32> to vector<4x10000xf32>
    %select_n3A_285 = arith.select %broadcast_in_dim3A_282, %broadcast_in_dim3A_284, %select_n3A_272 : vector<4x10000xi1>, vector<4x10000xf32>
    %get3A_286 = arith.constant 0 : index
    %get3A_287 = arith.constant 0 : index
    %get3A_288 = arith.constant 19 : index
    %get3A_289 = vector.load %arg5[%get3A_286, %get3A_287, %get3A_288] : memref<1x1x33xi32, #tpu.memory_space<vmem>>, vector<1x1x1xi32>
    %get3A_290 = vector.extract %get3A_289[0, 0, 0] : i32 from vector<1x1x1xi32>
    %eq3A_291 = vector.broadcast %get3A_290 : i32 to vector<1x10000xi32>
    %eq3A_292 = arith.cmpi eq, %add3A_41, %eq3A_291 : vector<1x10000xi32>
    %slice3A_293 = vector.extract_strided_slice %add3A_37 {offsets = [0, 19], sizes = [4, 1], strides = [1, 1]} : vector<4x33xf32> to vector<4x1xf32>
    %broadcast_in_dim3A_294 = vector.shape_cast %eq3A_292 : vector<1x10000xi1> to vector<1x10000xi1>
    %broadcast_in_dim3A_295 = vector.broadcast %broadcast_in_dim3A_294 : vector<1x10000xi1> to vector<4x10000xi1>
    %broadcast_in_dim3A_296 = vector.shape_cast %slice3A_293 : vector<4x1xf32> to vector<4x1xf32>
    %broadcast_in_dim3A_297 = vector.broadcast %broadcast_in_dim3A_296 : vector<4x1xf32> to vector<4x10000xf32>
    %select_n3A_298 = arith.select %broadcast_in_dim3A_295, %broadcast_in_dim3A_297, %select_n3A_285 : vector<4x10000xi1>, vector<4x10000xf32>
    %get3A_299 = arith.constant 0 : index
    %get3A_300 = arith.constant 0 : index
    %get3A_301 = arith.constant 20 : index
    %get3A_302 = vector.load %arg5[%get3A_299, %get3A_300, %get3A_301] : memref<1x1x33xi32, #tpu.memory_space<vmem>>, vector<1x1x1xi32>
    %get3A_303 = vector.extract %get3A_302[0, 0, 0] : i32 from vector<1x1x1xi32>
    %eq3A_304 = vector.broadcast %get3A_303 : i32 to vector<1x10000xi32>
    %eq3A_305 = arith.cmpi eq, %add3A_41, %eq3A_304 : vector<1x10000xi32>
    %slice3A_306 = vector.extract_strided_slice %add3A_37 {offsets = [0, 20], sizes = [4, 1], strides = [1, 1]} : vector<4x33xf32> to vector<4x1xf32>
    %broadcast_in_dim3A_307 = vector.shape_cast %eq3A_305 : vector<1x10000xi1> to vector<1x10000xi1>
    %broadcast_in_dim3A_308 = vector.broadcast %broadcast_in_dim3A_307 : vector<1x10000xi1> to vector<4x10000xi1>
    %broadcast_in_dim3A_309 = vector.shape_cast %slice3A_306 : vector<4x1xf32> to vector<4x1xf32>
    %broadcast_in_dim3A_310 = vector.broadcast %broadcast_in_dim3A_309 : vector<4x1xf32> to vector<4x10000xf32>
    %select_n3A_311 = arith.select %broadcast_in_dim3A_308, %broadcast_in_dim3A_310, %select_n3A_298 : vector<4x10000xi1>, vector<4x10000xf32>
    %get3A_312 = arith.constant 0 : index
    %get3A_313 = arith.constant 0 : index
    %get3A_314 = arith.constant 21 : index
    %get3A_315 = vector.load %arg5[%get3A_312, %get3A_313, %get3A_314] : memref<1x1x33xi32, #tpu.memory_space<vmem>>, vector<1x1x1xi32>
    %get3A_316 = vector.extract %get3A_315[0, 0, 0] : i32 from vector<1x1x1xi32>
    %eq3A_317 = vector.broadcast %get3A_316 : i32 to vector<1x10000xi32>
    %eq3A_318 = arith.cmpi eq, %add3A_41, %eq3A_317 : vector<1x10000xi32>
    %slice3A_319 = vector.extract_strided_slice %add3A_37 {offsets = [0, 21], sizes = [4, 1], strides = [1, 1]} : vector<4x33xf32> to vector<4x1xf32>
    %broadcast_in_dim3A_320 = vector.shape_cast %eq3A_318 : vector<1x10000xi1> to vector<1x10000xi1>
    %broadcast_in_dim3A_321 = vector.broadcast %broadcast_in_dim3A_320 : vector<1x10000xi1> to vector<4x10000xi1>
    %broadcast_in_dim3A_322 = vector.shape_cast %slice3A_319 : vector<4x1xf32> to vector<4x1xf32>
    %broadcast_in_dim3A_323 = vector.broadcast %broadcast_in_dim3A_322 : vector<4x1xf32> to vector<4x10000xf32>
    %select_n3A_324 = arith.select %broadcast_in_dim3A_321, %broadcast_in_dim3A_323, %select_n3A_311 : vector<4x10000xi1>, vector<4x10000xf32>
    %get3A_325 = arith.constant 0 : index
    %get3A_326 = arith.constant 0 : index
    %get3A_327 = arith.constant 22 : index
    %get3A_328 = vector.load %arg5[%get3A_325, %get3A_326, %get3A_327] : memref<1x1x33xi32, #tpu.memory_space<vmem>>, vector<1x1x1xi32>
    %get3A_329 = vector.extract %get3A_328[0, 0, 0] : i32 from vector<1x1x1xi32>
    %eq3A_330 = vector.broadcast %get3A_329 : i32 to vector<1x10000xi32>
    %eq3A_331 = arith.cmpi eq, %add3A_41, %eq3A_330 : vector<1x10000xi32>
    %slice3A_332 = vector.extract_strided_slice %add3A_37 {offsets = [0, 22], sizes = [4, 1], strides = [1, 1]} : vector<4x33xf32> to vector<4x1xf32>
    %broadcast_in_dim3A_333 = vector.shape_cast %eq3A_331 : vector<1x10000xi1> to vector<1x10000xi1>
    %broadcast_in_dim3A_334 = vector.broadcast %broadcast_in_dim3A_333 : vector<1x10000xi1> to vector<4x10000xi1>
    %broadcast_in_dim3A_335 = vector.shape_cast %slice3A_332 : vector<4x1xf32> to vector<4x1xf32>
    %broadcast_in_dim3A_336 = vector.broadcast %broadcast_in_dim3A_335 : vector<4x1xf32> to vector<4x10000xf32>
    %select_n3A_337 = arith.select %broadcast_in_dim3A_334, %broadcast_in_dim3A_336, %select_n3A_324 : vector<4x10000xi1>, vector<4x10000xf32>
    %get3A_338 = arith.constant 0 : index
    %get3A_339 = arith.constant 0 : index
    %get3A_340 = arith.constant 23 : index
    %get3A_341 = vector.load %arg5[%get3A_338, %get3A_339, %get3A_340] : memref<1x1x33xi32, #tpu.memory_space<vmem>>, vector<1x1x1xi32>
    %get3A_342 = vector.extract %get3A_341[0, 0, 0] : i32 from vector<1x1x1xi32>
    %eq3A_343 = vector.broadcast %get3A_342 : i32 to vector<1x10000xi32>
    %eq3A_344 = arith.cmpi eq, %add3A_41, %eq3A_343 : vector<1x10000xi32>
    %slice3A_345 = vector.extract_strided_slice %add3A_37 {offsets = [0, 23], sizes = [4, 1], strides = [1, 1]} : vector<4x33xf32> to vector<4x1xf32>
    %broadcast_in_dim3A_346 = vector.shape_cast %eq3A_344 : vector<1x10000xi1> to vector<1x10000xi1>
    %broadcast_in_dim3A_347 = vector.broadcast %broadcast_in_dim3A_346 : vector<1x10000xi1> to vector<4x10000xi1>
    %broadcast_in_dim3A_348 = vector.shape_cast %slice3A_345 : vector<4x1xf32> to vector<4x1xf32>
    %broadcast_in_dim3A_349 = vector.broadcast %broadcast_in_dim3A_348 : vector<4x1xf32> to vector<4x10000xf32>
    %select_n3A_350 = arith.select %broadcast_in_dim3A_347, %broadcast_in_dim3A_349, %select_n3A_337 : vector<4x10000xi1>, vector<4x10000xf32>
    %get3A_351 = arith.constant 0 : index
    %get3A_352 = arith.constant 0 : index
    %get3A_353 = arith.constant 24 : index
    %get3A_354 = vector.load %arg5[%get3A_351, %get3A_352, %get3A_353] : memref<1x1x33xi32, #tpu.memory_space<vmem>>, vector<1x1x1xi32>
    %get3A_355 = vector.extract %get3A_354[0, 0, 0] : i32 from vector<1x1x1xi32>
    %eq3A_356 = vector.broadcast %get3A_355 : i32 to vector<1x10000xi32>
    %eq3A_357 = arith.cmpi eq, %add3A_41, %eq3A_356 : vector<1x10000xi32>
    %slice3A_358 = vector.extract_strided_slice %add3A_37 {offsets = [0, 24], sizes = [4, 1], strides = [1, 1]} : vector<4x33xf32> to vector<4x1xf32>
    %broadcast_in_dim3A_359 = vector.shape_cast %eq3A_357 : vector<1x10000xi1> to vector<1x10000xi1>
    %broadcast_in_dim3A_360 = vector.broadcast %broadcast_in_dim3A_359 : vector<1x10000xi1> to vector<4x10000xi1>
    %broadcast_in_dim3A_361 = vector.shape_cast %slice3A_358 : vector<4x1xf32> to vector<4x1xf32>
    %broadcast_in_dim3A_362 = vector.broadcast %broadcast_in_dim3A_361 : vector<4x1xf32> to vector<4x10000xf32>
    %select_n3A_363 = arith.select %broadcast_in_dim3A_360, %broadcast_in_dim3A_362, %select_n3A_350 : vector<4x10000xi1>, vector<4x10000xf32>
    %get3A_364 = arith.constant 0 : index
    %get3A_365 = arith.constant 0 : index
    %get3A_366 = arith.constant 25 : index
    %get3A_367 = vector.load %arg5[%get3A_364, %get3A_365, %get3A_366] : memref<1x1x33xi32, #tpu.memory_space<vmem>>, vector<1x1x1xi32>
    %get3A_368 = vector.extract %get3A_367[0, 0, 0] : i32 from vector<1x1x1xi32>
    %eq3A_369 = vector.broadcast %get3A_368 : i32 to vector<1x10000xi32>
    %eq3A_370 = arith.cmpi eq, %add3A_41, %eq3A_369 : vector<1x10000xi32>
    %slice3A_371 = vector.extract_strided_slice %add3A_37 {offsets = [0, 25], sizes = [4, 1], strides = [1, 1]} : vector<4x33xf32> to vector<4x1xf32>
    %broadcast_in_dim3A_372 = vector.shape_cast %eq3A_370 : vector<1x10000xi1> to vector<1x10000xi1>
    %broadcast_in_dim3A_373 = vector.broadcast %broadcast_in_dim3A_372 : vector<1x10000xi1> to vector<4x10000xi1>
    %broadcast_in_dim3A_374 = vector.shape_cast %slice3A_371 : vector<4x1xf32> to vector<4x1xf32>
    %broadcast_in_dim3A_375 = vector.broadcast %broadcast_in_dim3A_374 : vector<4x1xf32> to vector<4x10000xf32>
    %select_n3A_376 = arith.select %broadcast_in_dim3A_373, %broadcast_in_dim3A_375, %select_n3A_363 : vector<4x10000xi1>, vector<4x10000xf32>
    %get3A_377 = arith.constant 0 : index
    %get3A_378 = arith.constant 0 : index
    %get3A_379 = arith.constant 26 : index
    %get3A_380 = vector.load %arg5[%get3A_377, %get3A_378, %get3A_379] : memref<1x1x33xi32, #tpu.memory_space<vmem>>, vector<1x1x1xi32>
    %get3A_381 = vector.extract %get3A_380[0, 0, 0] : i32 from vector<1x1x1xi32>
    %eq3A_382 = vector.broadcast %get3A_381 : i32 to vector<1x10000xi32>
    %eq3A_383 = arith.cmpi eq, %add3A_41, %eq3A_382 : vector<1x10000xi32>
    %slice3A_384 = vector.extract_strided_slice %add3A_37 {offsets = [0, 26], sizes = [4, 1], strides = [1, 1]} : vector<4x33xf32> to vector<4x1xf32>
    %broadcast_in_dim3A_385 = vector.shape_cast %eq3A_383 : vector<1x10000xi1> to vector<1x10000xi1>
    %broadcast_in_dim3A_386 = vector.broadcast %broadcast_in_dim3A_385 : vector<1x10000xi1> to vector<4x10000xi1>
    %broadcast_in_dim3A_387 = vector.shape_cast %slice3A_384 : vector<4x1xf32> to vector<4x1xf32>
    %broadcast_in_dim3A_388 = vector.broadcast %broadcast_in_dim3A_387 : vector<4x1xf32> to vector<4x10000xf32>
    %select_n3A_389 = arith.select %broadcast_in_dim3A_386, %broadcast_in_dim3A_388, %select_n3A_376 : vector<4x10000xi1>, vector<4x10000xf32>
    %get3A_390 = arith.constant 0 : index
    %get3A_391 = arith.constant 0 : index
    %get3A_392 = arith.constant 27 : index
    %get3A_393 = vector.load %arg5[%get3A_390, %get3A_391, %get3A_392] : memref<1x1x33xi32, #tpu.memory_space<vmem>>, vector<1x1x1xi32>
    %get3A_394 = vector.extract %get3A_393[0, 0, 0] : i32 from vector<1x1x1xi32>
    %eq3A_395 = vector.broadcast %get3A_394 : i32 to vector<1x10000xi32>
    %eq3A_396 = arith.cmpi eq, %add3A_41, %eq3A_395 : vector<1x10000xi32>
    %slice3A_397 = vector.extract_strided_slice %add3A_37 {offsets = [0, 27], sizes = [4, 1], strides = [1, 1]} : vector<4x33xf32> to vector<4x1xf32>
    %broadcast_in_dim3A_398 = vector.shape_cast %eq3A_396 : vector<1x10000xi1> to vector<1x10000xi1>
    %broadcast_in_dim3A_399 = vector.broadcast %broadcast_in_dim3A_398 : vector<1x10000xi1> to vector<4x10000xi1>
    %broadcast_in_dim3A_400 = vector.shape_cast %slice3A_397 : vector<4x1xf32> to vector<4x1xf32>
    %broadcast_in_dim3A_401 = vector.broadcast %broadcast_in_dim3A_400 : vector<4x1xf32> to vector<4x10000xf32>
    %select_n3A_402 = arith.select %broadcast_in_dim3A_399, %broadcast_in_dim3A_401, %select_n3A_389 : vector<4x10000xi1>, vector<4x10000xf32>
    %get3A_403 = arith.constant 0 : index
    %get3A_404 = arith.constant 0 : index
    %get3A_405 = arith.constant 28 : index
    %get3A_406 = vector.load %arg5[%get3A_403, %get3A_404, %get3A_405] : memref<1x1x33xi32, #tpu.memory_space<vmem>>, vector<1x1x1xi32>
    %get3A_407 = vector.extract %get3A_406[0, 0, 0] : i32 from vector<1x1x1xi32>
    %eq3A_408 = vector.broadcast %get3A_407 : i32 to vector<1x10000xi32>
    %eq3A_409 = arith.cmpi eq, %add3A_41, %eq3A_408 : vector<1x10000xi32>
    %slice3A_410 = vector.extract_strided_slice %add3A_37 {offsets = [0, 28], sizes = [4, 1], strides = [1, 1]} : vector<4x33xf32> to vector<4x1xf32>
    %broadcast_in_dim3A_411 = vector.shape_cast %eq3A_409 : vector<1x10000xi1> to vector<1x10000xi1>
    %broadcast_in_dim3A_412 = vector.broadcast %broadcast_in_dim3A_411 : vector<1x10000xi1> to vector<4x10000xi1>
    %broadcast_in_dim3A_413 = vector.shape_cast %slice3A_410 : vector<4x1xf32> to vector<4x1xf32>
    %broadcast_in_dim3A_414 = vector.broadcast %broadcast_in_dim3A_413 : vector<4x1xf32> to vector<4x10000xf32>
    %select_n3A_415 = arith.select %broadcast_in_dim3A_412, %broadcast_in_dim3A_414, %select_n3A_402 : vector<4x10000xi1>, vector<4x10000xf32>
    %get3A_416 = arith.constant 0 : index
    %get3A_417 = arith.constant 0 : index
    %get3A_418 = arith.constant 29 : index
    %get3A_419 = vector.load %arg5[%get3A_416, %get3A_417, %get3A_418] : memref<1x1x33xi32, #tpu.memory_space<vmem>>, vector<1x1x1xi32>
    %get3A_420 = vector.extract %get3A_419[0, 0, 0] : i32 from vector<1x1x1xi32>
    %eq3A_421 = vector.broadcast %get3A_420 : i32 to vector<1x10000xi32>
    %eq3A_422 = arith.cmpi eq, %add3A_41, %eq3A_421 : vector<1x10000xi32>
    %slice3A_423 = vector.extract_strided_slice %add3A_37 {offsets = [0, 29], sizes = [4, 1], strides = [1, 1]} : vector<4x33xf32> to vector<4x1xf32>
    %broadcast_in_dim3A_424 = vector.shape_cast %eq3A_422 : vector<1x10000xi1> to vector<1x10000xi1>
    %broadcast_in_dim3A_425 = vector.broadcast %broadcast_in_dim3A_424 : vector<1x10000xi1> to vector<4x10000xi1>
    %broadcast_in_dim3A_426 = vector.shape_cast %slice3A_423 : vector<4x1xf32> to vector<4x1xf32>
    %broadcast_in_dim3A_427 = vector.broadcast %broadcast_in_dim3A_426 : vector<4x1xf32> to vector<4x10000xf32>
    %select_n3A_428 = arith.select %broadcast_in_dim3A_425, %broadcast_in_dim3A_427, %select_n3A_415 : vector<4x10000xi1>, vector<4x10000xf32>
    %get3A_429 = arith.constant 0 : index
    %get3A_430 = arith.constant 0 : index
    %get3A_431 = arith.constant 30 : index
    %get3A_432 = vector.load %arg5[%get3A_429, %get3A_430, %get3A_431] : memref<1x1x33xi32, #tpu.memory_space<vmem>>, vector<1x1x1xi32>
    %get3A_433 = vector.extract %get3A_432[0, 0, 0] : i32 from vector<1x1x1xi32>
    %eq3A_434 = vector.broadcast %get3A_433 : i32 to vector<1x10000xi32>
    %eq3A_435 = arith.cmpi eq, %add3A_41, %eq3A_434 : vector<1x10000xi32>
    %slice3A_436 = vector.extract_strided_slice %add3A_37 {offsets = [0, 30], sizes = [4, 1], strides = [1, 1]} : vector<4x33xf32> to vector<4x1xf32>
    %broadcast_in_dim3A_437 = vector.shape_cast %eq3A_435 : vector<1x10000xi1> to vector<1x10000xi1>
    %broadcast_in_dim3A_438 = vector.broadcast %broadcast_in_dim3A_437 : vector<1x10000xi1> to vector<4x10000xi1>
    %broadcast_in_dim3A_439 = vector.shape_cast %slice3A_436 : vector<4x1xf32> to vector<4x1xf32>
    %broadcast_in_dim3A_440 = vector.broadcast %broadcast_in_dim3A_439 : vector<4x1xf32> to vector<4x10000xf32>
    %select_n3A_441 = arith.select %broadcast_in_dim3A_438, %broadcast_in_dim3A_440, %select_n3A_428 : vector<4x10000xi1>, vector<4x10000xf32>
    %get3A_442 = arith.constant 0 : index
    %get3A_443 = arith.constant 0 : index
    %get3A_444 = arith.constant 31 : index
    %get3A_445 = vector.load %arg5[%get3A_442, %get3A_443, %get3A_444] : memref<1x1x33xi32, #tpu.memory_space<vmem>>, vector<1x1x1xi32>
    %get3A_446 = vector.extract %get3A_445[0, 0, 0] : i32 from vector<1x1x1xi32>
    %eq3A_447 = vector.broadcast %get3A_446 : i32 to vector<1x10000xi32>
    %eq3A_448 = arith.cmpi eq, %add3A_41, %eq3A_447 : vector<1x10000xi32>
    %slice3A_449 = vector.extract_strided_slice %add3A_37 {offsets = [0, 31], sizes = [4, 1], strides = [1, 1]} : vector<4x33xf32> to vector<4x1xf32>
    %broadcast_in_dim3A_450 = vector.shape_cast %eq3A_448 : vector<1x10000xi1> to vector<1x10000xi1>
    %broadcast_in_dim3A_451 = vector.broadcast %broadcast_in_dim3A_450 : vector<1x10000xi1> to vector<4x10000xi1>
    %broadcast_in_dim3A_452 = vector.shape_cast %slice3A_449 : vector<4x1xf32> to vector<4x1xf32>
    %broadcast_in_dim3A_453 = vector.broadcast %broadcast_in_dim3A_452 : vector<4x1xf32> to vector<4x10000xf32>
    %select_n3A_454 = arith.select %broadcast_in_dim3A_451, %broadcast_in_dim3A_453, %select_n3A_441 : vector<4x10000xi1>, vector<4x10000xf32>
    %get3A_455 = arith.constant 0 : index
    %get3A_456 = arith.constant 0 : index
    %get3A_457 = arith.constant 32 : index
    %get3A_458 = vector.load %arg5[%get3A_455, %get3A_456, %get3A_457] : memref<1x1x33xi32, #tpu.memory_space<vmem>>, vector<1x1x1xi32>
    %get3A_459 = vector.extract %get3A_458[0, 0, 0] : i32 from vector<1x1x1xi32>
    %eq3A_460 = vector.broadcast %get3A_459 : i32 to vector<1x10000xi32>
    %eq3A_461 = arith.cmpi eq, %add3A_41, %eq3A_460 : vector<1x10000xi32>
    %slice3A_462 = vector.extract_strided_slice %add3A_37 {offsets = [0, 32], sizes = [4, 1], strides = [1, 1]} : vector<4x33xf32> to vector<4x1xf32>
    %broadcast_in_dim3A_463 = vector.shape_cast %eq3A_461 : vector<1x10000xi1> to vector<1x10000xi1>
    %broadcast_in_dim3A_464 = vector.broadcast %broadcast_in_dim3A_463 : vector<1x10000xi1> to vector<4x10000xi1>
    %broadcast_in_dim3A_465 = vector.shape_cast %slice3A_462 : vector<4x1xf32> to vector<4x1xf32>
    %broadcast_in_dim3A_466 = vector.broadcast %broadcast_in_dim3A_465 : vector<4x1xf32> to vector<4x10000xf32>
    %select_n3A_467 = arith.select %broadcast_in_dim3A_464, %broadcast_in_dim3A_466, %select_n3A_454 : vector<4x10000xi1>, vector<4x10000xf32>
    %broadcast_in_dim3A_468 = vector.shape_cast %select_n3A_467 : vector<4x10000xf32> to vector<1x4x10000xf32>
    %swap3A = arith.index_cast %arg1 : i32 to index
    %swap3A_469 = arith.constant 0 : index
    %swap3A_470 = arith.constant 0 : index
    %swap3A_471 = vector.load %arg7[%swap3A, %swap3A_469, %swap3A_470] : memref<10x4x10000xf32, #tpu.memory_space<vmem>>, vector<1x4x10000xf32>
    tpu.vector_store %arg7[%swap3A, %swap3A_469, %swap3A_470], %broadcast_in_dim3A_468 {strides = array<i32>} : memref<10x4x10000xf32, #tpu.memory_space<vmem>>, vector<1x4x10000xf32>,
    %eq3A_472 = arith.constant 9 : i32
    %eq3A_473 = arith.cmpi eq, %arg1, %eq3A_472 : i32
    %convert_element_type3A = arith.extui %eq3A_473 : i1 to i32
    %cond3A = arith.constant 0 : i32
    %cond3A_474 = arith.cmpi ne, %convert_element_type3A, %cond3A : i32
    scf.if %cond3A_474 {
      %get3A_475 = arith.constant 0 : index
      %get3A_476 = arith.constant 0 : index
      %get3A_477 = arith.constant 0 : index
      %get3A_478 = vector.load %arg7[%get3A_475, %get3A_476, %get3A_477] : memref<10x4x10000xf32, #tpu.memory_space<vmem>>, vector<10x4x10000xf32>
      %iota3A_479 = tpu.iota {dimensions = array<i32: 0>} : vector<10x1x10000xi32>
      %mul3A_480 = arith.constant 10000 : i32
      %mul3A_481 = vector.broadcast %mul3A_480 : i32 to vector<10x1x10000xi32>
      %mul3A_482 = arith.muli %iota3A_479, %mul3A_481 : vector<10x1x10000xi32>
      %iota3A_483 = tpu.iota {dimensions = array<i32: 2>} : vector<10x1x10000xi32>
      %add3A_484 = arith.addi %mul3A_482, %iota3A_483 : vector<10x1x10000xi32>
      %reduce_min3A = arith.constant dense<0x7F800000> : vector<10x4xf32>
      %reduce_min3A_485 = vector.multi_reduction <minimumf>, %get3A_478, %reduce_min3A [2] : vector<10x4x10000xf32> to vector<10x4xf32>
      %broadcast_in_dim3A_486 = vector.shape_cast %reduce_min3A_485 : vector<10x4xf32> to vector<10x4x1xf32>
      %reduce_min3A_487 = arith.constant dense<0x7F800000> : vector<4x1xf32>
      %reduce_min3A_488 = vector.multi_reduction <minimumf>, %broadcast_in_dim3A_486, %reduce_min3A_487 [0] : vector<10x4x1xf32> to vector<4x1xf32>
      %broadcast_in_dim3A_489 = vector.shape_cast %reduce_min3A_488 : vector<4x1xf32> to vector<1x4x1xf32>
      %eq3A_490 = vector.broadcast %broadcast_in_dim3A_489 : vector<1x4x1xf32> to vector<10x4x10000xf32>
      %eq3A_491 = arith.cmpf oeq, %get3A_478, %eq3A_490 : vector<10x4x10000xf32>
      %broadcast_in_dim3A_492 = vector.shape_cast %add3A_484 : vector<10x1x10000xi32> to vector<10x1x10000xi32>
      %broadcast_in_dim3A_493 = vector.broadcast %broadcast_in_dim3A_492 : vector<10x1x10000xi32> to vector<10x4x10000xi32>
      %jit3A = arith.constant 1073741824 : i32
      %broadcast_in_dim3A_494 = vector.broadcast %jit3A : i32 to vector<10x4x10000xi32>
      %select_n3A_495 = arith.select %eq3A_491, %broadcast_in_dim3A_493, %broadcast_in_dim3A_494 : vector<10x4x10000xi1>, vector<10x4x10000xi32>
      %reduce_min3A_496 = arith.constant dense<2147483647> : vector<10x4xi32>
      %reduce_min3A_497 = vector.multi_reduction <minsi>, %select_n3A_495, %reduce_min3A_496 [2] : vector<10x4x10000xi32> to vector<10x4xi32>
      %broadcast_in_dim3A_498 = vector.shape_cast %reduce_min3A_497 : vector<10x4xi32> to vector<10x4x1xi32>
      %reduce_min3A_499 = arith.constant dense<2147483647> : vector<4x1xi32>
      %reduce_min3A_500 = vector.multi_reduction <minsi>, %broadcast_in_dim3A_498, %reduce_min3A_499 [0] : vector<10x4x1xi32> to vector<4x1xi32>
      %swap3A_501 = arith.constant 0 : index
      %swap3A_502 = arith.constant 0 : index
      %swap3A_503 = arith.constant 0 : index
      %swap3A_504 = vector.load %arg6[%swap3A_501, %swap3A_502, %swap3A_503] : memref<1x4x8xi32, #tpu.memory_space<vmem>>, vector<1x4x1xi32>
      %swap3A_505 = vector.shape_cast %swap3A_504 : vector<1x4x1xi32> to vector<4x1xi32>
      %swap3A_506 = vector.shape_cast %reduce_min3A_500 : vector<4x1xi32> to vector<1x4x1xi32>
      tpu.vector_store %arg6[%swap3A_501, %swap3A_502, %swap3A_503], %swap3A_506 {strides = array<i32>} : memref<1x4x8xi32, #tpu.memory_space<vmem>>, vector<1x4x1xi32>,
      %broadcast_in_dim3A_507 = vector.shape_cast %reduce_min3A_500 : vector<4x1xi32> to vector<1x4x1xi32>
      %eq3A_508 = vector.broadcast %add3A_484 : vector<10x1x10000xi32> to vector<10x4x10000xi32>
      %eq3A_509 = vector.broadcast %broadcast_in_dim3A_507 : vector<1x4x1xi32> to vector<10x4x10000xi32>
      %eq3A_510 = arith.cmpi eq, %eq3A_508, %eq3A_509 : vector<10x4x10000xi32>
      %jit3A_511 = arith.constant 3.000000e+38 : f32
      %broadcast_in_dim3A_512 = vector.broadcast %jit3A_511 : f32 to vector<10x4x10000xf32>
      %select_n3A_513 = arith.select %eq3A_510, %broadcast_in_dim3A_512, %get3A_478 : vector<10x4x10000xi1>, vector<10x4x10000xf32>
      %reduce_min3A_514 = arith.constant dense<0x7F800000> : vector<10x4xf32>
      %reduce_min3A_515 = vector.multi_reduction <minimumf>, %select_n3A_513, %reduce_min3A_514 [2] : vector<10x4x10000xf32> to vector<10x4xf32>
      %broadcast_in_dim3A_516 = vector.shape_cast %reduce_min3A_515 : vector<10x4xf32> to vector<10x4x1xf32>
      %reduce_min3A_517 = arith.constant dense<0x7F800000> : vector<4x1xf32>
      %reduce_min3A_518 = vector.multi_reduction <minimumf>, %broadcast_in_dim3A_516, %reduce_min3A_517 [0] : vector<10x4x1xf32> to vector<4x1xf32>
      %broadcast_in_dim3A_519 = vector.shape_cast %reduce_min3A_518 : vector<4x1xf32> to vector<1x4x1xf32>
      %eq3A_520 = vector.broadcast %broadcast_in_dim3A_519 : vector<1x4x1xf32> to vector<10x4x10000xf32>
      %eq3A_521 = arith.cmpf oeq, %select_n3A_513, %eq3A_520 : vector<10x4x10000xf32>
      %broadcast_in_dim3A_522 = vector.shape_cast %add3A_484 : vector<10x1x10000xi32> to vector<10x1x10000xi32>
      %broadcast_in_dim3A_523 = vector.broadcast %broadcast_in_dim3A_522 : vector<10x1x10000xi32> to vector<10x4x10000xi32>
      %jit3A_524 = arith.constant 1073741824 : i32
      %broadcast_in_dim3A_525 = vector.broadcast %jit3A_524 : i32 to vector<10x4x10000xi32>
      %select_n3A_526 = arith.select %eq3A_521, %broadcast_in_dim3A_523, %broadcast_in_dim3A_525 : vector<10x4x10000xi1>, vector<10x4x10000xi32>
      %reduce_min3A_527 = arith.constant dense<2147483647> : vector<10x4xi32>
      %reduce_min3A_528 = vector.multi_reduction <minsi>, %select_n3A_526, %reduce_min3A_527 [2] : vector<10x4x10000xi32> to vector<10x4xi32>
      %broadcast_in_dim3A_529 = vector.shape_cast %reduce_min3A_528 : vector<10x4xi32> to vector<10x4x1xi32>
      %reduce_min3A_530 = arith.constant dense<2147483647> : vector<4x1xi32>
      %reduce_min3A_531 = vector.multi_reduction <minsi>, %broadcast_in_dim3A_529, %reduce_min3A_530 [0] : vector<10x4x1xi32> to vector<4x1xi32>
      %swap3A_532 = arith.constant 0 : index
      %swap3A_533 = arith.constant 0 : index
      %swap3A_534 = arith.constant 1 : index
      %swap3A_535 = vector.load %arg6[%swap3A_532, %swap3A_533, %swap3A_534] : memref<1x4x8xi32, #tpu.memory_space<vmem>>, vector<1x4x1xi32>
      %swap3A_536 = vector.shape_cast %swap3A_535 : vector<1x4x1xi32> to vector<4x1xi32>
      %swap3A_537 = vector.shape_cast %reduce_min3A_531 : vector<4x1xi32> to vector<1x4x1xi32>
      tpu.vector_store %arg6[%swap3A_532, %swap3A_533, %swap3A_534], %swap3A_537 {strides = array<i32>} : memref<1x4x8xi32, #tpu.memory_space<vmem>>, vector<1x4x1xi32>,
      %broadcast_in_dim3A_538 = vector.shape_cast %reduce_min3A_531 : vector<4x1xi32> to vector<1x4x1xi32>
      %eq3A_539 = vector.broadcast %add3A_484 : vector<10x1x10000xi32> to vector<10x4x10000xi32>
      %eq3A_540 = vector.broadcast %broadcast_in_dim3A_538 : vector<1x4x1xi32> to vector<10x4x10000xi32>
      %eq3A_541 = arith.cmpi eq, %eq3A_539, %eq3A_540 : vector<10x4x10000xi32>
      %jit3A_542 = arith.constant 3.000000e+38 : f32
      %broadcast_in_dim3A_543 = vector.broadcast %jit3A_542 : f32 to vector<10x4x10000xf32>
      %select_n3A_544 = arith.select %eq3A_541, %broadcast_in_dim3A_543, %select_n3A_513 : vector<10x4x10000xi1>, vector<10x4x10000xf32>
      %reduce_min3A_545 = arith.constant dense<0x7F800000> : vector<10x4xf32>
      %reduce_min3A_546 = vector.multi_reduction <minimumf>, %select_n3A_544, %reduce_min3A_545 [2] : vector<10x4x10000xf32> to vector<10x4xf32>
      %broadcast_in_dim3A_547 = vector.shape_cast %reduce_min3A_546 : vector<10x4xf32> to vector<10x4x1xf32>
      %reduce_min3A_548 = arith.constant dense<0x7F800000> : vector<4x1xf32>
      %reduce_min3A_549 = vector.multi_reduction <minimumf>, %broadcast_in_dim3A_547, %reduce_min3A_548 [0] : vector<10x4x1xf32> to vector<4x1xf32>
      %broadcast_in_dim3A_550 = vector.shape_cast %reduce_min3A_549 : vector<4x1xf32> to vector<1x4x1xf32>
      %eq3A_551 = vector.broadcast %broadcast_in_dim3A_550 : vector<1x4x1xf32> to vector<10x4x10000xf32>
      %eq3A_552 = arith.cmpf oeq, %select_n3A_544, %eq3A_551 : vector<10x4x10000xf32>
      %broadcast_in_dim3A_553 = vector.shape_cast %add3A_484 : vector<10x1x10000xi32> to vector<10x1x10000xi32>
      %broadcast_in_dim3A_554 = vector.broadcast %broadcast_in_dim3A_553 : vector<10x1x10000xi32> to vector<10x4x10000xi32>
      %jit3A_555 = arith.constant 1073741824 : i32
      %broadcast_in_dim3A_556 = vector.broadcast %jit3A_555 : i32 to vector<10x4x10000xi32>
      %select_n3A_557 = arith.select %eq3A_552, %broadcast_in_dim3A_554, %broadcast_in_dim3A_556 : vector<10x4x10000xi1>, vector<10x4x10000xi32>
      %reduce_min3A_558 = arith.constant dense<2147483647> : vector<10x4xi32>
      %reduce_min3A_559 = vector.multi_reduction <minsi>, %select_n3A_557, %reduce_min3A_558 [2] : vector<10x4x10000xi32> to vector<10x4xi32>
      %broadcast_in_dim3A_560 = vector.shape_cast %reduce_min3A_559 : vector<10x4xi32> to vector<10x4x1xi32>
      %reduce_min3A_561 = arith.constant dense<2147483647> : vector<4x1xi32>
      %reduce_min3A_562 = vector.multi_reduction <minsi>, %broadcast_in_dim3A_560, %reduce_min3A_561 [0] : vector<10x4x1xi32> to vector<4x1xi32>
      %swap3A_563 = arith.constant 0 : index
      %swap3A_564 = arith.constant 0 : index
      %swap3A_565 = arith.constant 2 : index
      %swap3A_566 = vector.load %arg6[%swap3A_563, %swap3A_564, %swap3A_565] : memref<1x4x8xi32, #tpu.memory_space<vmem>>, vector<1x4x1xi32>
      %swap3A_567 = vector.shape_cast %swap3A_566 : vector<1x4x1xi32> to vector<4x1xi32>
      %swap3A_568 = vector.shape_cast %reduce_min3A_562 : vector<4x1xi32> to vector<1x4x1xi32>
      tpu.vector_store %arg6[%swap3A_563, %swap3A_564, %swap3A_565], %swap3A_568 {strides = array<i32>} : memref<1x4x8xi32, #tpu.memory_space<vmem>>, vector<1x4x1xi32>,
      %broadcast_in_dim3A_569 = vector.shape_cast %reduce_min3A_562 : vector<4x1xi32> to vector<1x4x1xi32>
      %eq3A_570 = vector.broadcast %add3A_484 : vector<10x1x10000xi32> to vector<10x4x10000xi32>
      %eq3A_571 = vector.broadcast %broadcast_in_dim3A_569 : vector<1x4x1xi32> to vector<10x4x10000xi32>
      %eq3A_572 = arith.cmpi eq, %eq3A_570, %eq3A_571 : vector<10x4x10000xi32>
      %jit3A_573 = arith.constant 3.000000e+38 : f32
      %broadcast_in_dim3A_574 = vector.broadcast %jit3A_573 : f32 to vector<10x4x10000xf32>
      %select_n3A_575 = arith.select %eq3A_572, %broadcast_in_dim3A_574, %select_n3A_544 : vector<10x4x10000xi1>, vector<10x4x10000xf32>
      %reduce_min3A_576 = arith.constant dense<0x7F800000> : vector<10x4xf32>
      %reduce_min3A_577 = vector.multi_reduction <minimumf>, %select_n3A_575, %reduce_min3A_576 [2] : vector<10x4x10000xf32> to vector<10x4xf32>
      %broadcast_in_dim3A_578 = vector.shape_cast %reduce_min3A_577 : vector<10x4xf32> to vector<10x4x1xf32>
      %reduce_min3A_579 = arith.constant dense<0x7F800000> : vector<4x1xf32>
      %reduce_min3A_580 = vector.multi_reduction <minimumf>, %broadcast_in_dim3A_578, %reduce_min3A_579 [0] : vector<10x4x1xf32> to vector<4x1xf32>
      %broadcast_in_dim3A_581 = vector.shape_cast %reduce_min3A_580 : vector<4x1xf32> to vector<1x4x1xf32>
      %eq3A_582 = vector.broadcast %broadcast_in_dim3A_581 : vector<1x4x1xf32> to vector<10x4x10000xf32>
      %eq3A_583 = arith.cmpf oeq, %select_n3A_575, %eq3A_582 : vector<10x4x10000xf32>
      %broadcast_in_dim3A_584 = vector.shape_cast %add3A_484 : vector<10x1x10000xi32> to vector<10x1x10000xi32>
      %broadcast_in_dim3A_585 = vector.broadcast %broadcast_in_dim3A_584 : vector<10x1x10000xi32> to vector<10x4x10000xi32>
      %jit3A_586 = arith.constant 1073741824 : i32
      %broadcast_in_dim3A_587 = vector.broadcast %jit3A_586 : i32 to vector<10x4x10000xi32>
      %select_n3A_588 = arith.select %eq3A_583, %broadcast_in_dim3A_585, %broadcast_in_dim3A_587 : vector<10x4x10000xi1>, vector<10x4x10000xi32>
      %reduce_min3A_589 = arith.constant dense<2147483647> : vector<10x4xi32>
      %reduce_min3A_590 = vector.multi_reduction <minsi>, %select_n3A_588, %reduce_min3A_589 [2] : vector<10x4x10000xi32> to vector<10x4xi32>
      %broadcast_in_dim3A_591 = vector.shape_cast %reduce_min3A_590 : vector<10x4xi32> to vector<10x4x1xi32>
      %reduce_min3A_592 = arith.constant dense<2147483647> : vector<4x1xi32>
      %reduce_min3A_593 = vector.multi_reduction <minsi>, %broadcast_in_dim3A_591, %reduce_min3A_592 [0] : vector<10x4x1xi32> to vector<4x1xi32>
      %swap3A_594 = arith.constant 0 : index
      %swap3A_595 = arith.constant 0 : index
      %swap3A_596 = arith.constant 3 : index
      %swap3A_597 = vector.load %arg6[%swap3A_594, %swap3A_595, %swap3A_596] : memref<1x4x8xi32, #tpu.memory_space<vmem>>, vector<1x4x1xi32>
      %swap3A_598 = vector.shape_cast %swap3A_597 : vector<1x4x1xi32> to vector<4x1xi32>
      %swap3A_599 = vector.shape_cast %reduce_min3A_593 : vector<4x1xi32> to vector<1x4x1xi32>
      tpu.vector_store %arg6[%swap3A_594, %swap3A_595, %swap3A_596], %swap3A_599 {strides = array<i32>} : memref<1x4x8xi32, #tpu.memory_space<vmem>>, vector<1x4x1xi32>,
      %broadcast_in_dim3A_600 = vector.shape_cast %reduce_min3A_593 : vector<4x1xi32> to vector<1x4x1xi32>
      %eq3A_601 = vector.broadcast %add3A_484 : vector<10x1x10000xi32> to vector<10x4x10000xi32>
      %eq3A_602 = vector.broadcast %broadcast_in_dim3A_600 : vector<1x4x1xi32> to vector<10x4x10000xi32>
      %eq3A_603 = arith.cmpi eq, %eq3A_601, %eq3A_602 : vector<10x4x10000xi32>
      %jit3A_604 = arith.constant 3.000000e+38 : f32
      %broadcast_in_dim3A_605 = vector.broadcast %jit3A_604 : f32 to vector<10x4x10000xf32>
      %select_n3A_606 = arith.select %eq3A_603, %broadcast_in_dim3A_605, %select_n3A_575 : vector<10x4x10000xi1>, vector<10x4x10000xf32>
      %reduce_min3A_607 = arith.constant dense<0x7F800000> : vector<10x4xf32>
      %reduce_min3A_608 = vector.multi_reduction <minimumf>, %select_n3A_606, %reduce_min3A_607 [2] : vector<10x4x10000xf32> to vector<10x4xf32>
      %broadcast_in_dim3A_609 = vector.shape_cast %reduce_min3A_608 : vector<10x4xf32> to vector<10x4x1xf32>
      %reduce_min3A_610 = arith.constant dense<0x7F800000> : vector<4x1xf32>
      %reduce_min3A_611 = vector.multi_reduction <minimumf>, %broadcast_in_dim3A_609, %reduce_min3A_610 [0] : vector<10x4x1xf32> to vector<4x1xf32>
      %broadcast_in_dim3A_612 = vector.shape_cast %reduce_min3A_611 : vector<4x1xf32> to vector<1x4x1xf32>
      %eq3A_613 = vector.broadcast %broadcast_in_dim3A_612 : vector<1x4x1xf32> to vector<10x4x10000xf32>
      %eq3A_614 = arith.cmpf oeq, %select_n3A_606, %eq3A_613 : vector<10x4x10000xf32>
      %broadcast_in_dim3A_615 = vector.shape_cast %add3A_484 : vector<10x1x10000xi32> to vector<10x1x10000xi32>
      %broadcast_in_dim3A_616 = vector.broadcast %broadcast_in_dim3A_615 : vector<10x1x10000xi32> to vector<10x4x10000xi32>
      %jit3A_617 = arith.constant 1073741824 : i32
      %broadcast_in_dim3A_618 = vector.broadcast %jit3A_617 : i32 to vector<10x4x10000xi32>
      %select_n3A_619 = arith.select %eq3A_614, %broadcast_in_dim3A_616, %broadcast_in_dim3A_618 : vector<10x4x10000xi1>, vector<10x4x10000xi32>
      %reduce_min3A_620 = arith.constant dense<2147483647> : vector<10x4xi32>
      %reduce_min3A_621 = vector.multi_reduction <minsi>, %select_n3A_619, %reduce_min3A_620 [2] : vector<10x4x10000xi32> to vector<10x4xi32>
      %broadcast_in_dim3A_622 = vector.shape_cast %reduce_min3A_621 : vector<10x4xi32> to vector<10x4x1xi32>
      %reduce_min3A_623 = arith.constant dense<2147483647> : vector<4x1xi32>
      %reduce_min3A_624 = vector.multi_reduction <minsi>, %broadcast_in_dim3A_622, %reduce_min3A_623 [0] : vector<10x4x1xi32> to vector<4x1xi32>
      %swap3A_625 = arith.constant 0 : index
      %swap3A_626 = arith.constant 0 : index
      %swap3A_627 = arith.constant 4 : index
      %swap3A_628 = vector.load %arg6[%swap3A_625, %swap3A_626, %swap3A_627] : memref<1x4x8xi32, #tpu.memory_space<vmem>>, vector<1x4x1xi32>
      %swap3A_629 = vector.shape_cast %swap3A_628 : vector<1x4x1xi32> to vector<4x1xi32>
      %swap3A_630 = vector.shape_cast %reduce_min3A_624 : vector<4x1xi32> to vector<1x4x1xi32>
      tpu.vector_store %arg6[%swap3A_625, %swap3A_626, %swap3A_627], %swap3A_630 {strides = array<i32>} : memref<1x4x8xi32, #tpu.memory_space<vmem>>, vector<1x4x1xi32>,
      %broadcast_in_dim3A_631 = vector.shape_cast %reduce_min3A_624 : vector<4x1xi32> to vector<1x4x1xi32>
      %eq3A_632 = vector.broadcast %add3A_484 : vector<10x1x10000xi32> to vector<10x4x10000xi32>
      %eq3A_633 = vector.broadcast %broadcast_in_dim3A_631 : vector<1x4x1xi32> to vector<10x4x10000xi32>
      %eq3A_634 = arith.cmpi eq, %eq3A_632, %eq3A_633 : vector<10x4x10000xi32>
      %jit3A_635 = arith.constant 3.000000e+38 : f32
      %broadcast_in_dim3A_636 = vector.broadcast %jit3A_635 : f32 to vector<10x4x10000xf32>
      %select_n3A_637 = arith.select %eq3A_634, %broadcast_in_dim3A_636, %select_n3A_606 : vector<10x4x10000xi1>, vector<10x4x10000xf32>
      %reduce_min3A_638 = arith.constant dense<0x7F800000> : vector<10x4xf32>
      %reduce_min3A_639 = vector.multi_reduction <minimumf>, %select_n3A_637, %reduce_min3A_638 [2] : vector<10x4x10000xf32> to vector<10x4xf32>
      %broadcast_in_dim3A_640 = vector.shape_cast %reduce_min3A_639 : vector<10x4xf32> to vector<10x4x1xf32>
      %reduce_min3A_641 = arith.constant dense<0x7F800000> : vector<4x1xf32>
      %reduce_min3A_642 = vector.multi_reduction <minimumf>, %broadcast_in_dim3A_640, %reduce_min3A_641 [0] : vector<10x4x1xf32> to vector<4x1xf32>
      %broadcast_in_dim3A_643 = vector.shape_cast %reduce_min3A_642 : vector<4x1xf32> to vector<1x4x1xf32>
      %eq3A_644 = vector.broadcast %broadcast_in_dim3A_643 : vector<1x4x1xf32> to vector<10x4x10000xf32>
      %eq3A_645 = arith.cmpf oeq, %select_n3A_637, %eq3A_644 : vector<10x4x10000xf32>
      %broadcast_in_dim3A_646 = vector.shape_cast %add3A_484 : vector<10x1x10000xi32> to vector<10x1x10000xi32>
      %broadcast_in_dim3A_647 = vector.broadcast %broadcast_in_dim3A_646 : vector<10x1x10000xi32> to vector<10x4x10000xi32>
      %jit3A_648 = arith.constant 1073741824 : i32
      %broadcast_in_dim3A_649 = vector.broadcast %jit3A_648 : i32 to vector<10x4x10000xi32>
      %select_n3A_650 = arith.select %eq3A_645, %broadcast_in_dim3A_647, %broadcast_in_dim3A_649 : vector<10x4x10000xi1>, vector<10x4x10000xi32>
      %reduce_min3A_651 = arith.constant dense<2147483647> : vector<10x4xi32>
      %reduce_min3A_652 = vector.multi_reduction <minsi>, %select_n3A_650, %reduce_min3A_651 [2] : vector<10x4x10000xi32> to vector<10x4xi32>
      %broadcast_in_dim3A_653 = vector.shape_cast %reduce_min3A_652 : vector<10x4xi32> to vector<10x4x1xi32>
      %reduce_min3A_654 = arith.constant dense<2147483647> : vector<4x1xi32>
      %reduce_min3A_655 = vector.multi_reduction <minsi>, %broadcast_in_dim3A_653, %reduce_min3A_654 [0] : vector<10x4x1xi32> to vector<4x1xi32>
      %swap3A_656 = arith.constant 0 : index
      %swap3A_657 = arith.constant 0 : index
      %swap3A_658 = arith.constant 5 : index
      %swap3A_659 = vector.load %arg6[%swap3A_656, %swap3A_657, %swap3A_658] : memref<1x4x8xi32, #tpu.memory_space<vmem>>, vector<1x4x1xi32>
      %swap3A_660 = vector.shape_cast %swap3A_659 : vector<1x4x1xi32> to vector<4x1xi32>
      %swap3A_661 = vector.shape_cast %reduce_min3A_655 : vector<4x1xi32> to vector<1x4x1xi32>
      tpu.vector_store %arg6[%swap3A_656, %swap3A_657, %swap3A_658], %swap3A_661 {strides = array<i32>} : memref<1x4x8xi32, #tpu.memory_space<vmem>>, vector<1x4x1xi32>,
      %broadcast_in_dim3A_662 = vector.shape_cast %reduce_min3A_655 : vector<4x1xi32> to vector<1x4x1xi32>
      %eq3A_663 = vector.broadcast %add3A_484 : vector<10x1x10000xi32> to vector<10x4x10000xi32>
      %eq3A_664 = vector.broadcast %broadcast_in_dim3A_662 : vector<1x4x1xi32> to vector<10x4x10000xi32>
      %eq3A_665 = arith.cmpi eq, %eq3A_663, %eq3A_664 : vector<10x4x10000xi32>
      %jit3A_666 = arith.constant 3.000000e+38 : f32
      %broadcast_in_dim3A_667 = vector.broadcast %jit3A_666 : f32 to vector<10x4x10000xf32>
      %select_n3A_668 = arith.select %eq3A_665, %broadcast_in_dim3A_667, %select_n3A_637 : vector<10x4x10000xi1>, vector<10x4x10000xf32>
      %reduce_min3A_669 = arith.constant dense<0x7F800000> : vector<10x4xf32>
      %reduce_min3A_670 = vector.multi_reduction <minimumf>, %select_n3A_668, %reduce_min3A_669 [2] : vector<10x4x10000xf32> to vector<10x4xf32>
      %broadcast_in_dim3A_671 = vector.shape_cast %reduce_min3A_670 : vector<10x4xf32> to vector<10x4x1xf32>
      %reduce_min3A_672 = arith.constant dense<0x7F800000> : vector<4x1xf32>
      %reduce_min3A_673 = vector.multi_reduction <minimumf>, %broadcast_in_dim3A_671, %reduce_min3A_672 [0] : vector<10x4x1xf32> to vector<4x1xf32>
      %broadcast_in_dim3A_674 = vector.shape_cast %reduce_min3A_673 : vector<4x1xf32> to vector<1x4x1xf32>
      %eq3A_675 = vector.broadcast %broadcast_in_dim3A_674 : vector<1x4x1xf32> to vector<10x4x10000xf32>
      %eq3A_676 = arith.cmpf oeq, %select_n3A_668, %eq3A_675 : vector<10x4x10000xf32>
      %broadcast_in_dim3A_677 = vector.shape_cast %add3A_484 : vector<10x1x10000xi32> to vector<10x1x10000xi32>
      %broadcast_in_dim3A_678 = vector.broadcast %broadcast_in_dim3A_677 : vector<10x1x10000xi32> to vector<10x4x10000xi32>
      %jit3A_679 = arith.constant 1073741824 : i32
      %broadcast_in_dim3A_680 = vector.broadcast %jit3A_679 : i32 to vector<10x4x10000xi32>
      %select_n3A_681 = arith.select %eq3A_676, %broadcast_in_dim3A_678, %broadcast_in_dim3A_680 : vector<10x4x10000xi1>, vector<10x4x10000xi32>
      %reduce_min3A_682 = arith.constant dense<2147483647> : vector<10x4xi32>
      %reduce_min3A_683 = vector.multi_reduction <minsi>, %select_n3A_681, %reduce_min3A_682 [2] : vector<10x4x10000xi32> to vector<10x4xi32>
      %broadcast_in_dim3A_684 = vector.shape_cast %reduce_min3A_683 : vector<10x4xi32> to vector<10x4x1xi32>
      %reduce_min3A_685 = arith.constant dense<2147483647> : vector<4x1xi32>
      %reduce_min3A_686 = vector.multi_reduction <minsi>, %broadcast_in_dim3A_684, %reduce_min3A_685 [0] : vector<10x4x1xi32> to vector<4x1xi32>
      %swap3A_687 = arith.constant 0 : index
      %swap3A_688 = arith.constant 0 : index
      %swap3A_689 = arith.constant 6 : index
      %swap3A_690 = vector.load %arg6[%swap3A_687, %swap3A_688, %swap3A_689] : memref<1x4x8xi32, #tpu.memory_space<vmem>>, vector<1x4x1xi32>
      %swap3A_691 = vector.shape_cast %swap3A_690 : vector<1x4x1xi32> to vector<4x1xi32>
      %swap3A_692 = vector.shape_cast %reduce_min3A_686 : vector<4x1xi32> to vector<1x4x1xi32>
      tpu.vector_store %arg6[%swap3A_687, %swap3A_688, %swap3A_689], %swap3A_692 {strides = array<i32>} : memref<1x4x8xi32, #tpu.memory_space<vmem>>, vector<1x4x1xi32>,
      %broadcast_in_dim3A_693 = vector.shape_cast %reduce_min3A_686 : vector<4x1xi32> to vector<1x4x1xi32>
      %eq3A_694 = vector.broadcast %add3A_484 : vector<10x1x10000xi32> to vector<10x4x10000xi32>
      %eq3A_695 = vector.broadcast %broadcast_in_dim3A_693 : vector<1x4x1xi32> to vector<10x4x10000xi32>
      %eq3A_696 = arith.cmpi eq, %eq3A_694, %eq3A_695 : vector<10x4x10000xi32>
      %jit3A_697 = arith.constant 3.000000e+38 : f32
      %broadcast_in_dim3A_698 = vector.broadcast %jit3A_697 : f32 to vector<10x4x10000xf32>
      %select_n3A_699 = arith.select %eq3A_696, %broadcast_in_dim3A_698, %select_n3A_668 : vector<10x4x10000xi1>, vector<10x4x10000xf32>
      %reduce_min3A_700 = arith.constant dense<0x7F800000> : vector<10x4xf32>
      %reduce_min3A_701 = vector.multi_reduction <minimumf>, %select_n3A_699, %reduce_min3A_700 [2] : vector<10x4x10000xf32> to vector<10x4xf32>
      %broadcast_in_dim3A_702 = vector.shape_cast %reduce_min3A_701 : vector<10x4xf32> to vector<10x4x1xf32>
      %reduce_min3A_703 = arith.constant dense<0x7F800000> : vector<4x1xf32>
      %reduce_min3A_704 = vector.multi_reduction <minimumf>, %broadcast_in_dim3A_702, %reduce_min3A_703 [0] : vector<10x4x1xf32> to vector<4x1xf32>
      %broadcast_in_dim3A_705 = vector.shape_cast %reduce_min3A_704 : vector<4x1xf32> to vector<1x4x1xf32>
      %eq3A_706 = vector.broadcast %broadcast_in_dim3A_705 : vector<1x4x1xf32> to vector<10x4x10000xf32>
      %eq3A_707 = arith.cmpf oeq, %select_n3A_699, %eq3A_706 : vector<10x4x10000xf32>
      %broadcast_in_dim3A_708 = vector.shape_cast %add3A_484 : vector<10x1x10000xi32> to vector<10x1x10000xi32>
      %broadcast_in_dim3A_709 = vector.broadcast %broadcast_in_dim3A_708 : vector<10x1x10000xi32> to vector<10x4x10000xi32>
      %jit3A_710 = arith.constant 1073741824 : i32
      %broadcast_in_dim3A_711 = vector.broadcast %jit3A_710 : i32 to vector<10x4x10000xi32>
      %select_n3A_712 = arith.select %eq3A_707, %broadcast_in_dim3A_709, %broadcast_in_dim3A_711 : vector<10x4x10000xi1>, vector<10x4x10000xi32>
      %reduce_min3A_713 = arith.constant dense<2147483647> : vector<10x4xi32>
      %reduce_min3A_714 = vector.multi_reduction <minsi>, %select_n3A_712, %reduce_min3A_713 [2] : vector<10x4x10000xi32> to vector<10x4xi32>
      %broadcast_in_dim3A_715 = vector.shape_cast %reduce_min3A_714 : vector<10x4xi32> to vector<10x4x1xi32>
      %reduce_min3A_716 = arith.constant dense<2147483647> : vector<4x1xi32>
      %reduce_min3A_717 = vector.multi_reduction <minsi>, %broadcast_in_dim3A_715, %reduce_min3A_716 [0] : vector<10x4x1xi32> to vector<4x1xi32>
      %swap3A_718 = arith.constant 0 : index
      %swap3A_719 = arith.constant 0 : index
      %swap3A_720 = arith.constant 7 : index
      %swap3A_721 = vector.load %arg6[%swap3A_718, %swap3A_719, %swap3A_720] : memref<1x4x8xi32, #tpu.memory_space<vmem>>, vector<1x4x1xi32>
      %swap3A_722 = vector.shape_cast %swap3A_721 : vector<1x4x1xi32> to vector<4x1xi32>
      %swap3A_723 = vector.shape_cast %reduce_min3A_717 : vector<4x1xi32> to vector<1x4x1xi32>
      tpu.vector_store %arg6[%swap3A_718, %swap3A_719, %swap3A_720], %swap3A_723 {strides = array<i32>} : memref<1x4x8xi32, #tpu.memory_space<vmem>>, vector<1x4x1xi32>,
    } else {
    }
    return
  }
  func.func @transform_0(%arg0: i32, %arg1: i32) -> (i32, i32, i32) {
    %c0_i32 = arith.constant 0 : i32
    %c0_i32_0 = arith.constant 0 : i32
    return %arg0, %arg1, %c0_i32 : i32, i32, i32
  }
  func.func @transform_1(%arg0: i32, %arg1: i32) -> (i32, i32, i32) {
    %c0_i32 = arith.constant 0 : i32
    %c0_i32_0 = arith.constant 0 : i32
    %c0_i32_1 = arith.constant 0 : i32
    return %arg0, %c0_i32, %c0_i32_0 : i32, i32, i32
  }
  func.func @transform_2(%arg0: i32, %arg1: i32) -> (i32, i32, i32) {
    %c0_i32 = arith.constant 0 : i32
    %c0_i32_0 = arith.constant 0 : i32
    %c0_i32_1 = arith.constant 0 : i32
    return %arg0, %c0_i32, %c0_i32_0 : i32, i32, i32
  }
  func.func @transform_3(%arg0: i32, %arg1: i32) -> (i32, i32, i32) {
    %c0_i32 = arith.constant 0 : i32
    %c0_i32_0 = arith.constant 0 : i32
    %c0_i32_1 = arith.constant 0 : i32
    return %arg0, %c0_i32, %c0_i32_0 : i32, i32, i32
  }
  func.func @transform_4(%arg0: i32, %arg1: i32) -> (i32, i32, i32) {
    %c0_i32 = arith.constant 0 : i32
    %c0_i32_0 = arith.constant 0 : i32
    %c0_i32_1 = arith.constant 0 : i32
    return %arg0, %c0_i32, %c0_i32_0 : i32, i32, i32
  }
}

</mosaic_0001>

<sc_bundles>
// kernel: gather_offload_async_start.1
scs
__scs_entry_jumppad:
0x0: {  	(pc) =	sbr.rel $0x88, $3  }
0x1: {  	(tag) =	ssettag $0x0;
	lr =	simm.s32 $0x1  }
0x2: {  	[smem:$0x3F92] =	sst lr;
	_ =	strace $0xD0000000  }
0x3: {  	_ = 	snop  }
0x4: {  	_ = 	snop  }
0x5: {  	_ = 	snop  }
0x6: {  	_ = 	snop  }
0x7: {  	_ = 	snop  }
__scs_overlays_trampoline_lowered:
0x8: {  	[smem:$0x3FA1] =	sst s0  }
0x9: {  	[smem:$0x3FA2] =	sst s1  }
0xa: {  	[smem:$0x3FA3] =	sst s2  }
0xb: {  	[smem:$0x3FA4] =	sst s3  }
0xc: {  	[smem:$0x3FA5] =	sst s4  }
0xd: {  	[smem:$0x3FA6] =	sst s5  }
0xe: {  	[smem:$0x3FA7] =	sst s6  }
0xf: {  	[smem:$0x3FA8] =	sst s7  }
0x10: {  	[smem:$0x3FA9] =	sst s8  }
0x11: {  	[smem:$0x3FAA] =	sst s9;
	s0 =	simm.s32 @!p0 $0x0  }
0x12: {  	s1 =	sld [smem:$0x3F90];
	s0 =	simm.s32 @p0 $0x1  }
0x13: {  	[smem:$0x3FAB] =	sst s0;
	s0 =	simm.s32 @!p1 $0x0  }
0x14: {  	s2 =	sld [smem:$0x3F8F];
	s0 =	simm.s32 @p1 $0x1  }
0x15: {  	[smem:$0x3FAC] =	sst s0;
	s0 =	simm.s32 @!p2 $0x0  }
0x16: {  	s3 =	sld [smem:$0x3FDB];
	s0 =	simm.s32 @p2 $0x1  }
0x17: {  	s4 =	simm.s32 $0x1BF5;
	[smem:$0x3FAE] =	sst s0  }
0x18: {  	s0 =	sld [smem:$0x3F91];
	_ =	swait.ge [sflag:s4], $0x0  }
0x19: {  	s7 =	sld [smem:$0x3F92]  }
0x1a: {  	s8 =	sadd.s32 $0xFFFFE003, lr  }
0x1b: {  	s9 =	sadd.s32 $0xFFFFFEF7, lr;
	s5 =	simm.s32 $0xFFFFFFFF;
	p2 =	slt.u32 s8, $0xFFFFF086  }
0x1c: {  	p1 =	slt.u32 s9, $0xF7A;
	s5 =	simm.s32 @!p2 $0x0  }
0x1d: {  	s5 =	simm.s32 @p1 $0x1;
	p0 =	seq.s32 s7, s2  }
0x1e: {  	s7 =	smul.u32 @!p0 $0xF7A, s2;
	p2 =	seq.s32 @!p0 s5, $0x0  }
0x1f: {  	s9 =	smul.u32 $0xF7A, s1;
	s8 =	simm.s32 @!p0 $0x1BF5;
	p2 =	por !p2, p0  }
0x20: {  	[sflag:s8] =	ssyncset.s32 @!p0 $0xFFFFF086;
	s6 =	sadd.s32 @!p0 s3, s7;
	s7 =	simm.s32 @!p0 $0x108  }
0x21: {  	s3 =	sadd.s32 s3, s9;
	s6 =	sadd.s32 @!p0 $0x88, s6;
	s7 =	simm.s32 @p2 $0x1082  }
0x22: {  	[simem:s7], [sflag:s8] =	dma.local @!p0 [hbm:s6], $0xF7A  }
0x23: {  	s9 =	sor.u32 $0xD0000000, s2;
	s6 =	simm.s32 $0x108;
	_ =	swait.ge @!p0 [sflag:s8], $0x0  }
0x24: {  	s3 =	sadd.s32 $0x88, s3;
	s6 =	simm.s32 @!p1 $0x1082;
	[sflag:s4] =	ssyncset.s32 $0xFFFFF086  }
0x25: {  	[simem:s6], [sflag:s4] =	dma.local [hbm:s3], $0xF7A  }
0x26: {  	[smem:$0x3F92] =	sst s1;
	(tag) =	ssettag s2;
	_ =	strace s9  }
0x27: {  	s1 =	sld [smem:$0x3FA2]  }
0x28: {  	s2 =	sld [smem:$0x3FA3]  }
0x29: {  	s4 =	sld [smem:$0x3FA5]  }
0x2a: {  	p0 =	seq.s32 s5, $0x0;
	s5 =	sld [smem:$0x3FA6]  }
0x2b: {  	s6 =	sld [smem:$0x3FA7]  }
0x2c: {  	s7 =	sld [smem:$0x3FA8]  }
0x2d: {  	s3 =	simm.s32 $0x108;
	s8 =	sld [smem:$0x3FA9]  }
0x2e: {  	s3 =	simm.s32 @!p0 $0x1082;
	s9 =	sld [smem:$0x3FAA]  }
0x2f: {  	lr =	sadd.s32 s0, s3;
	s0 =	sld [smem:$0x3FA1]  }
0x30: {  	s3 =	sld [smem:$0x3FA4]  }
0x31: {  	[smem:$0x3FAD] =	sst s10  }
0x32: {  	s10 =	sld [smem:$0x3FAB];
	_ =	sdelay $0x3  }
0x33: {  	p0 =	seq.s32 s10, $0x1;
	s10 =	sld [smem:$0x3FAD];
	_ =	sdelay $0x3  }
0x34: {  	[smem:$0x3FAD] =	sst s10  }
0x35: {  	s10 =	sld [smem:$0x3FAC];
	_ =	sdelay $0x3  }
0x36: {  	p1 =	seq.s32 s10, $0x1;
	s10 =	sld [smem:$0x3FAD];
	_ =	sdelay $0x3  }
0x37: {  	[smem:$0x3FAD] =	sst s10  }
0x38: {  	s10 =	sld [smem:$0x3FAE]  }
0x39: {  	_ = 	snop;
	(pc) =	sbr.ind lr, $3  }
0x3a: {  	_ = 	snop  }
0x3b: {  	_ = 	snop  }
0x3c: {  	p2 =	seq.s32 s10, $0x1;
	s10 =	sld [smem:$0x3FAD]  }
0x3d: {  	_ =	shalt  }
0x3e: {  	_ =	shalt  }
0x3f: {  	_ =	shalt  }
0x40: {  	_ =	shalt  }
0x41: {  	_ =	shalt  }
0x42: {  	_ =	shalt  }
0x43: {  	_ =	shalt  }
0x44: {  	_ =	shalt  }
0x45: {  	_ =	shalt  }
0x46: {  	_ =	shalt  }
0x47: {  	_ =	shalt  }
0x48: {  	_ =	shalt  }
0x49: {  	_ =	shalt  }
0x4a: {  	_ =	shalt  }
0x4b: {  	_ =	shalt  }
0x4c: {  	_ =	shalt  }
0x4d: {  	_ =	shalt  }
0x4e: {  	_ =	shalt  }
0x4f: {  	_ =	shalt  }
0x50: {  	_ =	shalt  }
0x51: {  	_ =	shalt  }
0x52: {  	_ =	shalt  }
0x53: {  	_ =	shalt  }
0x54: {  	_ =	shalt  }
0x55: {  	_ =	shalt  }
0x56: {  	_ =	shalt  }
0x57: {  	_ =	shalt  }
0x58: {  	_ =	shalt  }
0x59: {  	_ =	shalt  }
0x5a: {  	_ =	shalt  }
0x5b: {  	_ =	shalt  }
0x5c: {  	_ =	shalt  }
0x5d: {  	_ =	shalt  }
0x5e: {  	_ =	shalt  }
0x5f: {  	_ =	shalt  }
0x60: {  	_ =	shalt  }
0x61: {  	_ =	shalt  }
0x62: {  	_ =	shalt  }
0x63: {  	_ =	shalt  }
0x64: {  	_ =	shalt  }
0x65: {  	_ =	shalt  }
0x66: {  	_ =	shalt  }
0x67: {  	_ =	shalt  }
0x68: {  	_ =	shalt  }
0x69: {  	_ =	shalt  }
0x6a: {  	_ =	shalt  }
0x6b: {  	_ =	shalt  }
0x6c: {  	_ =	shalt  }
0x6d: {  	_ =	shalt  }
0x6e: {  	_ =	shalt  }
0x6f: {  	_ =	shalt  }
0x70: {  	_ =	shalt  }
0x71: {  	_ =	shalt  }
0x72: {  	_ =	shalt  }
0x73: {  	_ =	shalt  }
0x74: {  	_ =	shalt  }
0x75: {  	_ =	shalt  }
0x76: {  	_ =	shalt  }
0x77: {  	_ =	shalt  }
0x78: {  	_ =	shalt  }
0x79: {  	_ =	shalt  }
0x7a: {  	_ =	shalt  }
0x7b: {  	_ =	shalt  }
0x7c: {  	_ =	shalt  }
0x7d: {  	_ =	shalt  }
0x7e: {  	_ =	shalt  }
0x7f: {  	_ =	shalt  }
0x80: {  	_ =	shalt  }
0x81: {  	_ =	shalt  }
0x82: {  	_ =	shalt  }
0x83: {  	_ =	shalt  }
0x84: {  	_ =	shalt  }
0x85: {  	_ =	shalt  }
0x86: {  	_ =	shalt  }
0x87: {  	_ =	shalt  }
.Lfunc_end0:
.L_simem_size_0:
called_computation.1_lowered:
.L_overlay_start_0:
0x88: {  	s2 =	sld [smem:$0x3FD9]  }
0x89: {  	s3 =	sld [smem:$0x3FFE];
	_ =	sdelay $0x1  }
0x8a: {  	s1 =	srdreg.scid  }
0x8b: {  	s0 =	sand.u32 $0x1, s1  }
0x8c: {  	s17 =	sshll.u32 s0, $0xA;
	s2 =	sadd.s32 s3, s2  }
0x8d: {  	s2 =	sadd.s32 s2, s17  }
0x8e: {  	[smem:$0x3FB9] =	sst s2  }
0x8f: {  	_ = 	snop  }
0x90: {  	s18 =	sld [smem:$0x3FC8];
	(tm) =	ssettm $0x1  }
0x91: {  	s19 =	sld [smem:$0x3FFB];
	_ =	sdelay $0x3  }
0x92: {  	_ =	strace s19  }
0x93: {  	s2 =	sld [smem:$0x3FFC];
	_ =	sdelay $0x3  }
0x94: {  	_ =	strace s2  }
0x95: {  	s2 =	sld [smem:$0x3FFD];
	_ =	sdelay $0x3  }
0x96: {  	_ =	strace s2  }
0x97: {  	_ =	strace $0x8FFFFFFF  }
0x98: {  	s20 =	sld [smem:$0x3FDB];
	_ =	sdelay $0x1  }
0x99: {  	s4 =	simm.s32 $_scs_section_size  }
0x9a: {  	s5 =	simm.s32 $_size__tile_overlayer_lowered;
	s6 =	simm.s32 $_tile_overlayer_lowered  }
0x9b: {  	s7 =	simm.s32 $0x1BFF;
	s21 =	sshll.u32 s6, $0x1;
	s4 =	sadd.s32 s4, s20  }
0x9c: {  	s22 =	simm.s32 $0x0;
	s5 =	sshll.u32 s5, $0x1;
	s6 =	sadd.s32 s21, s4  }
0x9d: {  	[timem:s22], [sflag:s7] =	dma.local [hbm:s6], s5  }
0x9e: {  	_ =	swait.ge [sflag:s7], s5  }
0x9f: {  	s5 =	ssub.s32 $0x0, s5;
	[sflag:s7] =	ssyncset.done $0x0  }
0xa0: {  	[sflag:s7] =	ssyncadd.s32 s5;
	_ =	sdelay $0x1  }
0xa1: {  	s23 =	simm.s32 $0x1B8B  }
0xa2: {  	_ =	swait.ge [sflag:s23], $0x1  }
0xa3: {  	[sflag:s23] =	ssyncset.done $0x0  }
0xa4: {  	[sflag:s23] =	ssyncadd.s32 $0xFFFFFFFF  }
0xa5: {  	s5 =	sld [smem:$0x0]  }
0xa6: {  	s6 =	sand.u32 $0xFFFFFFFE, s1  }
0xa7: {  	p0 =	sne.s32 s1, s6  }
0xa8: {  	s6 =	sshll.u32 @p0 s6, $0xE  }
0xa9: {  	s6 =	sadd.s32 @p0 $0x11B8D, s6;
	s7 =	sshll.u32 @p0 s5, $0x11  }
0xaa: {  	s6 =	sor.u32 @p0 s7, s6  }
0xab: {  	[sflag:s6] =	ssyncadd.remote.s32 @p0 $0x1;
	_ =	sdelay $0x1  }
0xac: {  	s6 =	simm.s32 @p0 $0x1B8D  }
0xad: {  	_ =	swait.eq @p0 [sflag:s6], $0x1  }
0xae: {  	[sflag:s6] =	ssyncadd.s32 @p0 $0xFFFFFFFF  }
0xaf: {  	s7 =	sshll.u32 @!p0 s1, $0xE  }
0xb0: {  	s7 =	sor.u32 @!p0 $0x4000, s7;
	s6 =	simm.s32 @!p0 $0x1B8D  }
0xb1: {  	s5 =	sshll.u32 @!p0 s5, $0x11;
	s7 =	sadd.s32 @!p0 $0x11B8D, s7;
	_ =	swait.eq @!p0 [sflag:s6], $0x1  }
0xb2: {  	s5 =	sor.u32 @!p0 s5, s7;
	[sflag:s6] =	ssyncadd.s32 @!p0 $0xFFFFFFFF  }
0xb3: {  	s25 =	simm.s32 $0x1B8E;
	s24 =	sld [smem:$0x3FFE];
	[sflag:s5] =	ssyncadd.remote.s32 @!p0 $0x1  }
0xb4: {  	s26 =	simm.s32 $execute0_lowered;
	[smem:$0x3FD2] =	sst s25  }
0xb5: {  	s6 =	sshll.u32 s26, $0x1;
	_ =	strace $0x80000049;
	[dreg:$0x1] =	wrdreg $0xFFFFFFFF  }
0xb6: {  	s28 =	simm.s32 $_size_execute0_lowered;
	s4 =	sadd.s32 s4, s6;
	[dreg:$0x0] =	wrdreg $0x0  }
0xb7: {  	s6 =	sshll.u32 s28, $0x1;
	[dreg:$0x2] =	wrdreg s4  }
0xb8: {  	[dreg:$0x3] =	wrdreg s6  }
0xb9: {  	[dreg:$0x4] =	wrdreg $0xC0  }
0xba: {  	_ =	task [dreg:s22], $0x5FFFF  }
0xbb: {  	[dreg:$0x1] =	wrdreg $0xFFFFFFFF  }
0xbc: {  	[dreg:$0x0] =	wrdreg $0x60  }
0xbd: {  	[dreg:$0x2] =	wrdreg s18  }
0xbe: {  	[dreg:$0x3] =	wrdreg s24  }
0xbf: {  	[dreg:$0x4] =	wrdreg $0xA  }
0xc0: {  	_ =	task.clear_ibuf [dreg:s22], $0x5FFFF;
	_ =	strace $0x90000049  }
0xc1: {  	s29 =	simm.s32 $0xA;
	_ =	strace $0x8000004B  }
0xc2: {  	_ =	swait.ge [sflag:s29], $0x1  }
0xc3: {  	[sflag:s29] =	ssyncadd.s32 $0xFFFFFFFF  }
0xc4: {  	_ =	strace $0x9000004B  }
0xc5: {  	_ =	sfence  }
0xc6: {  	s30 =	sld [smem:$0x0];
	_ =	sdelay $0x2  }
0xc7: {  	s31 =	sshll.u32 s1, $0xD;
	s1 =	sshrl.u32 s1, $0x2  }
0xc8: {  	s4 =	sand.u32 $0x4000, s31;
	s1 =	sadd.s32 s1, s30  }
0xc9: {  	s0 =	sor.u32 s4, s0;
	s1 =	sshll.u32 s1, $0x11  }
0xca: {  	s0 =	sor.u32 s1, s0  }
0xcb: {  	s0 =	sadd.s32 $0x8F2B, s0  }
0xcc: {  	[sflag:s0] =	ssyncadd.remote.s32 $0x1  }
0xcd: {  	_ =	sfence.sel $0xFFFF  }
0xce: {  	[dreg:$0x0] =	wrdreg $0xFFFFFFFF;
	(pc) =	sbr.abs _section_cstart, $3  }
0xcf: {  	[dreg:$0x1] =	wrdreg $0xFFFFFFFF  }
0xd0: {  	_ =	task.clear_ibuf [dreg:s22], $0x2FFFF;
	_ =	strace $0x9FFFFFFF  }
0xd1: {  	(tm) =	ssettm $0x7FFFFFFF  }
tec
execute0_lowered:
.L_overlay_start_1:
0x0: {  	(tag) =	ssettag $0x1  }
0x1: {  	s2 =	rddreg [dreg:$0x0]  }
0x2: {  	s8 =	rddreg [dreg:$0x1]  }
0x3: {  	s0 =	rddreg [dreg:$0x2];
	s1 =	stileid.u32  }
0x4: {  	s3 =	srdreg.scid;
	_ =	strace $0x8000004A;
	s4 =	simm.s32 $0x1  }
0x5: {  	s7 =	simm.s32 $0x1;
	s9 =	simm.s32 $0x1;
	s10 =	simm.s32 $0x3  }
0x6: {  	s13 =	simm.s32 $0x0;
	s5 =	sand.u32 $0x1, s3;
	s6 =	sshll.u32 s1, $0x1  }
0x7: {  	s12 =	simm.s32 $0x0;
	s3 =	sadd.s32 $0x8200, s8;
	s5 =	sor.u32 s6, s5  }
.Ltmp0:
0x8: {  	[sflag:s4] =	ssyncpa.u1 $0x0;
	p0 =	slt.u32 s5, $0xD;
	(pc) =	sbr.rel .LBB2_1-.Ltmp0, $4  }
0x9: {  	s6 =	simm.s32 $0x2;
	s7 =	simm.s32 @!p0 $0x0;
	p0 =	sne.s32 s5, $0xC  }
0xa: {  	[sflag:s6] =	ssyncpa.u1 $0x0;
	s5 =	smul.u32 $0x180, s5;
	s9 =	simm.s32 @!p0 $0x0  }
0xb: {  	s8 =	sadd.s32 $0x9600, s8;
	[sflag:s10] =	ssyncpa.u1 $0x0;
	s7 =	sadd.s32 s9, s7  }
0xc: {  	vm0 =	vmmov $0xffff;
	s10 =	simm.s32 $0x0;
	s11 =	smov.u32 s5;
	s9 =	sadd.s32 $0x1, s7  }
.LBB2_4:
0xd: {  	v6 =	vand.u32 $0x7F, v3;
	v4 =	vsel vm1, $0xFFCF2000, v4  }
0xe: {  	v5 =	vmul.u32 $0xC3800, v5;
	vm1 =	vmmov vm2;
	v56 =	vshll.u32 v3, $0x3  }
0xf: {  	v7 =	vand.u32 $0xF, v1;
	v2 =	vshll.u32 v2, $0x7;
	v57 =	vshrl.u32 v1, $0x4  }
0x10: {  	v58 =	vshrl.u32 v1, $0x9;
	v4 =	vor.u32 v4, v6;
	v3 =	vand.u32 $0xFFFFFC00, v56  }
0x11: {  	v2 =	vand.u32 $0x380, v2;
	v4 =	vadd.s32 v5, v4;
	v5 =	vand.u32 $0x1F, v57  }
0x12: {  	v1 =	vand.u32 $0x1FFFF, v58;
	v59 =	vmul.u32 $0x30E000, v7;
	v5 =	vsel vm1, $0xFFFFFFFF, v5  }
0x13: {  	v1 =	vsel vm1, $0xFFFFFFFF, v1;
	v3 =	vadd.s32 v3, v4;
	v60 =	vshrl.u32 v5, $0x3  }
0x14: {  	v61 =	vand.u32 $0x7F, v1;
	v6 =	vsel vm1, $0xFFCF2000, v59;
	v4 =	vmul.u32 $0xC3800, v60  }
0x15: {  	v1 =	vshll.u32 v1, $0x3;
	v2 =	vor.u32 v2, v3;
	v62 =	vor.u32 v6, v61  }
0x16: {  	v1 =	vand.u32 $0xFFFFFC00, v1;
	v5 =	vshll.u32 v5, $0x7;
	v3 =	vadd.s32 v4, v62  }
0x17: {  	v63 =	vand.u32 $0x380, v5;
	v1 =	vadd.s32 v1, v3  }
0x18: {  	(ifvalue) =	ssetifvalue $0x7FFFFFFF;
	s15 =	sadd.s32 $0x10, s15;
	v1 =	vor.u32 v63, v1  }
0x19: {  	[tilespmem:s15], [sflag:$0x1] =	stream.indirect_vreg.gather [hbm4b:s2+s10], $0x1, v0, vm0, $0x4038;
	[tilespmem:$0x600] =	vst v63  }
0x1a: {  	(ifvalue) =	ssetifvalue $0x7FFFFFFF;
	s15 =	sadd.s32 $0x10, s15  }
0x1b: {  	[tilespmem:s15], [sflag:$0x1] =	stream.indirect_vreg.gather [hbm4b:s2+s10], $0x1, v2, vm0, $0x4038;
	[tilespmem:$0x600] =	vst v63  }
0x1c: {  	(ifvalue) =	ssetifvalue $0x7FFFFFFF;
	s15 =	sadd.s32 $0x10, s15  }
0x1d: {  	[tilespmem:s15], [sflag:$0x1] =	stream.indirect_vreg.gather [hbm4b:s2+s10], $0x1, v1, vm0, $0x4038;
	[tilespmem:$0x600] =	vst v63  }
0x1e: {  	_ =	swait.ge [sflag:s4], $0x180  }
0x1f: {  	s30 =	sshrl.u32 s13, $0x3;
	[sflag:s4] =	ssyncset.done $0x0  }
0x20: {  	s31 =	sand.u32 $0x7, s13;
	s15 =	sadd.s32 s8, s30;
	[sflag:s4] =	ssyncadd.s32 $0xFFFFFE80  }
0x21: {  	[hbm4b:s15+s31] =	stream.linear.scatter [tilespmem:s14], [sflag:$0x3], $0x180, $0x38;
	[tilespmem:$0x600] =	vst v63  }
.LBB2_5:
0x22: {  	s15 =	sadd.s32 $0x3000, s11  }
0x23: {  	p1 =	sgt.s32 s15, $0x41FF  }
0x24: {  	s15 =	smov.u32 @p1 s5;
	p1 =	sne.s32 s12, s9  }
.Ltmp1:
0x25: {  	p0 =	slt.u32 s12, $0x2;
	(pc) =	sbr.rel @!p1 .LBB2_6-.Ltmp1, $4  }
0x26: {  	s14 =	simm.s32 @!p0 $0x3  }
0x27: {  	_ =	swait.ge @!p0 [sflag:s14], $0x180  }
0x28: {  	s16 =	sadd.s32 $0x1, s12;
	s13 =	smov.u32 s11;
	[sflag:s14] =	ssyncset.done @!p0 $0x0  }
0x29: {  	s12 =	smov.u32 s16;
	s11 =	smov.u32 s15;
	[sflag:s14] =	ssyncadd.s32 @!p0 $0xFFFFFE80  }
.LBB2_1:
0x2a: {  	p0 =	sge.u32 s12, s7  }
0x2b: {  	s14 =	sxor.u32 @!p0 $0x1, s12  }
0x2c: {  	s14 =	smul.u32 @!p0 $0x600, s14  }
0x2d: {  	s31 =	sadd.s32 $0xFFFFFFFF, s12;
	s15 =	sshrl.u32 @!p0 s11, $0x3  }
0x2e: {  	s16 =	sand.u32 @!p0 $0x7, s11;
	s15 =	sadd.s32 @!p0 s3, s15;
	s14 =	sshra.s32 @!p0 s14, $0x2  }
0x2f: {  	[tilespmem:s14], [sflag:$0x2] =	stream.linear.gather @!p0 [hbm4b:s15+s16], $0x180, $0x38;
	[tilespmem:$0x600] =	vst v63  }
0x30: {  	p0 =	sge.u32 s31, s7  }
.Ltmp2:
0x31: {  	_ = 	snop;
	(pc) =	sbr.rel @p0 .LBB2_5-.Ltmp2, $1  }
0x32: {  	_ =	sdelay $0x3  }
0x33: {  	s14 =	sand.u32 $0x1, s12  }
0x34: {  	_ =	swait.ge [sflag:s6], $0x180;
	p0 =	seq.s32 s14, $0x1;
	s14 =	simm.s32 $0x180  }
0x35: {  	[sflag:s6] =	ssyncset.done $0x0;
	s14 =	simm.s32 @!p0 $0x0  }
0x36: {  	[sflag:s6] =	ssyncadd.s32 $0xFFFFFE80;
	(ifvalue) =	ssetifvalue $0x7FFFFFFF;
	v0 =	vld.msk [tilespmem:s14+$0x0 ss:$0x1], $0xffff;
	_ =	sdelay $0x1  }
0x37: {  	s15 =	sadd.s32 $0x10, s14  }
0x38: {  	v1 =	vld.msk [tilespmem:s15+$0x0 ss:$0x1], $0xffff;
	s15 =	sadd.s32 $0x10, s15  }
0x39: {  	v6 =	vld.msk [tilespmem:s15+$0x0 ss:$0x1], $0xffff  }
0x3a: {  	vm1 =	veq.s32 v0, $0x80000000;
	v2 =	vand.u32 $0xF, v0  }
0x3b: {  	v3 =	vshrl.u32 v0, $0x4;
	v0 =	vshrl.u32 v0, $0x9;
	vm1 =	vmmov vm1  }
0x3c: {  	v3 =	vand.u32 $0x1F, v3;
	v0 =	vand.u32 $0x1FFFF, v0;
	v2 =	vmul.u32 $0x30E000, v2  }
0x3d: {  	vm2 =	veq.s32 v1, $0x80000000;
	v7 =	vand.u32 $0xF, v1;
	v3 =	vsel vm1, $0xFFFFFFFF, v3  }
0x3e: {  	v0 =	vsel vm1, $0xFFFFFFFF, v0;
	v8 =	vand.u32 $0xF, v6;
	v4 =	vshrl.u32 v3, $0x3  }
0x3f: {  	v5 =	vand.u32 $0x7F, v0;
	v2 =	vsel vm1, $0xFFCF2000, v2;
	vm1 =	vmmov vm2  }
0x40: {  	v0 =	vshll.u32 v0, $0x3;
	v3 =	vshll.u32 v3, $0x7;
	v4 =	vmul.u32 $0xC3800, v4  }
0x41: {  	v2 =	vor.u32 v2, v5;
	v0 =	vand.u32 $0xFFFFFC00, v0;
	v3 =	vand.u32 $0x380, v3  }
0x42: {  	v2 =	vadd.s32 v4, v2;
	v4 =	vshrl.u32 v1, $0x4;
	v1 =	vshrl.u32 v1, $0x9  }
0x43: {  	v0 =	vadd.s32 v0, v2;
	v2 =	vand.u32 $0x1F, v4;
	v1 =	vand.u32 $0x1FFFF, v1  }
0x44: {  	v0 =	vor.u32 v3, v0;
	v2 =	vsel vm1, $0xFFFFFFFF, v2;
	v3 =	vmul.u32 $0x30E000, v7  }
0x45: {  	vm2 =	veq.s32 v6, $0x80000000;
	v4 =	vsel vm1, $0xFFFFFFFF, v1;
	v1 =	vshrl.u32 v2, $0x3  }
0x46: {  	s15 =	sadd.s32 $0x10, s15;
	v5 =	vand.u32 $0x7F, v4;
	v3 =	vsel vm1, $0xFFCF2000, v3;
	v7 =	vmul.u32 $0xC3800, v1  }
0x47: {  	v4 =	vshll.u32 v4, $0x3;
	v2 =	vshll.u32 v2, $0x7;
	v1 =	vld.msk [tilespmem:s15+$0x0 ss:$0x1], $0xffff;
	v3 =	vor.u32 v3, v5  }
0x48: {  	vm1 =	vmmov vm2;
	v4 =	vand.u32 $0xFFFFFC00, v4;
	v3 =	vadd.s32 v7, v3  }
0x49: {  	s14 =	sadd.s32 $0x300, s14;
	(ifvalue) =	ssetifvalue $0x7FFFFFFF;
	v2 =	vand.u32 $0x380, v2;
	v5 =	vshrl.u32 v6, $0x4;
	v3 =	vadd.s32 v4, v3  }
0x4a: {  	[tilespmem:s14], [sflag:$0x1] =	stream.indirect_vreg.gather [hbm4b:s2+s10], $0x1, v0, vm0, $0x4038;
	v4 =	vand.u32 $0x1F, v5;
	v5 =	vshrl.u32 v6, $0x9;
	v0 =	vor.u32 v2, v3;
	[tilespmem:$0x600] =	vst v63  }
0x4b: {  	v2 =	vsel vm1, $0xFFFFFFFF, v4;
	v3 =	vand.u32 $0x1FFFF, v5;
	v4 =	vmul.u32 $0x30E000, v8  }
0x4c: {  	s16 =	simm.s32 $0x30;
	s17 =	sadd.s32 $0x10, s15;
	s15 =	smov.u32 s14;
	vm2 =	veq.s32 v1, $0x80000000;
	v3 =	vsel vm1, $0xFFFFFFFF, v3;
	v5 =	vshrl.u32 v2, $0x3  }
.LBB2_3:
0x4d: {  	v7 =	vand.u32 $0x7F, v3  }
0x4e: {  	v6 =	vld.msk [tilespmem:s17+$0x0 ss:$0x1], $0xffff;
	v4 =	vsel vm1, $0xFFCF2000, v4;
	v5 =	vmul.u32 $0xC3800, v5;
	vm1 =	vmmov vm2;
	s16 =	sadd.s32 $0x10, s16  }
0x4f: {  	v8 =	vand.u32 $0xF, v1;
	v3 =	vshll.u32 v3, $0x3;
	s15 =	sadd.s32 $0x10, s15;
	v4 =	vor.u32 v4, v7;
	(ifvalue) =	ssetifvalue $0x7FFFFFFF;
	p0 =	slt.u32 s16, $0x170  }
0x50: {  	[tilespmem:s15], [sflag:$0x1] =	stream.indirect_vreg.gather [hbm4b:s2+s10], $0x1, v0, vm0, $0x4038;
	[tilespmem:$0x600] =	vst v63  }
.Ltmp3:
0x51: {  	v2 =	vshll.u32 v2, $0x7;
	v3 =	vand.u32 $0xFFFFFC00, v3;
	v4 =	vadd.s32 v5, v4;
	(pc) =	sbr.rel @p0 .LBB2_3-.Ltmp3, $4  }
0x52: {  	v2 =	vand.u32 $0x380, v2;
	v0 =	vshrl.u32 v1, $0x4;
	v3 =	vadd.s32 v3, v4  }
0x53: {  	v9 =	vshrl.u32 v1, $0x9;
	v4 =	vand.u32 $0x1F, v0;
	v0 =	vor.u32 v2, v3  }
0x54: {  	v7 =	vand.u32 $0x1FFFF, v9;
	v2 =	vsel vm1, $0xFFFFFFFF, v4;
	v4 =	vmul.u32 $0x30E000, v8  }
0x55: {  	s17 =	sadd.s32 $0x10, s17;
	v3 =	vsel vm1, $0xFFFFFFFF, v7;
	vm2 =	veq.s32 v6, $0x80000000;
	v5 =	vshrl.u32 v2, $0x3;
	v1 =	vmovc v6  }
.Ltmp4:
0x56: {  	_ = 	snop;
	(pc) =	sbr.rel .LBB2_4-.Ltmp4, $1  }
0x57: {  	_ =	sdelay $0x3  }
.LBB2_6:
0x58: {  	_ =	sfence.sel $0x180000  }
0x59: {  	s2 =	simm.s32 $0x2;
	[bflag:$0x0] =	sbarrier.arrive $0xFFFF  }
0x5a: {  	s30 =	simm.s32 $0x3;
	[sflag:s2] =	ssyncpa.u1 $0x1  }
0x5b: {  	s31 =	simm.s32 $0x1;
	[sflag:s30] =	ssyncpa.u1 $0x1  }
0x5c: {  	[sflag:s31] =	ssyncpa.u1 $0x1  }
0x5d: {  	p0 =	sne.s32 s1, $0x0;
	_ =	strace $0x9000004A  }
0x5e: {  	s0 =	sadd.s32 @!p0 $0x100000, s0;
	[bflag:$0x2] =	sbarrier.arrive $0xFFFF  }
0x5f: {  	[sflag:s0] =	ssyncadd.tile.s32 @!p0 $0x1;
	_ =	shalt  }
.Lfunc_end2:
_tile_overlayer_lowered:
.L_overlay_start_2:
0x60: {  	(tag) =	ssettag $0x2  }
0x61: {  	s0 =	rddreg [dreg:$0x0];
	s2 =	stileid.u32  }
0x62: {  	s1 =	rddreg [dreg:$0x1];
	p0 =	sne.s32 s2, $0x0  }
0x63: {  	s3 =	rddreg [dreg:$0x2];
	[bflag:$0x3] =	sbarrier.arrive $0xFFFF;
	s2 =	simm.s32 @!p0 $0x1C01  }
0x64: {  	[timem:s3], [sflag:s2] =	dma.local @!p0 [hbm:s0], s1  }
0x65: {  	s0 =	simm.s32 @!p0 $0x1  }
0x66: {  	_ =	swait.ge @!p0 [sflag:s0], s1  }
0x67: {  	s1 =	ssub.s32 @!p0 $0x0, s1;
	[sflag:s0] =	ssyncset.done @!p0 $0x0  }
0x68: {  	[sflag:s0] =	ssyncadd.s32 @!p0 s1  }
0x69: {  	[bflag:$0x3] =	sbarrier.arrive $0xFFFF  }
0x6a: {  	_ =	shalt  }

// kernel: gather_offload_async_start
scs
__scs_entry_jumppad:
0x0: {  	(pc) =	sbr.rel $0x88, $3  }
0x1: {  	(tag) =	ssettag $0x0;
	lr =	simm.s32 $0x1  }
0x2: {  	[smem:$0x3F92] =	sst lr;
	_ =	strace $0xD0000000  }
0x3: {  	_ = 	snop  }
0x4: {  	_ = 	snop  }
0x5: {  	_ = 	snop  }
0x6: {  	_ = 	snop  }
0x7: {  	_ = 	snop  }
__scs_overlays_trampoline_lowered:
0x8: {  	[smem:$0x3FA1] =	sst s0  }
0x9: {  	[smem:$0x3FA2] =	sst s1  }
0xa: {  	[smem:$0x3FA3] =	sst s2  }
0xb: {  	[smem:$0x3FA4] =	sst s3  }
0xc: {  	[smem:$0x3FA5] =	sst s4  }
0xd: {  	[smem:$0x3FA6] =	sst s5  }
0xe: {  	[smem:$0x3FA7] =	sst s6  }
0xf: {  	[smem:$0x3FA8] =	sst s7  }
0x10: {  	[smem:$0x3FA9] =	sst s8  }
0x11: {  	[smem:$0x3FAA] =	sst s9;
	s0 =	simm.s32 @!p0 $0x0  }
0x12: {  	s1 =	sld [smem:$0x3F90];
	s0 =	simm.s32 @p0 $0x1  }
0x13: {  	[smem:$0x3FAB] =	sst s0;
	s0 =	simm.s32 @!p1 $0x0  }
0x14: {  	s2 =	sld [smem:$0x3F8F];
	s0 =	simm.s32 @p1 $0x1  }
0x15: {  	[smem:$0x3FAC] =	sst s0;
	s0 =	simm.s32 @!p2 $0x0  }
0x16: {  	s3 =	sld [smem:$0x3FDB];
	s0 =	simm.s32 @p2 $0x1  }
0x17: {  	s4 =	simm.s32 $0x1BF5;
	[smem:$0x3FAE] =	sst s0  }
0x18: {  	s0 =	sld [smem:$0x3F91];
	_ =	swait.ge [sflag:s4], $0x0  }
0x19: {  	s7 =	sld [smem:$0x3F92]  }
0x1a: {  	s8 =	sadd.s32 $0xFFFFE003, lr  }
0x1b: {  	s9 =	sadd.s32 $0xFFFFFEF7, lr;
	s5 =	simm.s32 $0xFFFFFFFF;
	p2 =	slt.u32 s8, $0xFFFFF086  }
0x1c: {  	p1 =	slt.u32 s9, $0xF7A;
	s5 =	simm.s32 @!p2 $0x0  }
0x1d: {  	s5 =	simm.s32 @p1 $0x1;
	p0 =	seq.s32 s7, s2  }
0x1e: {  	s7 =	smul.u32 @!p0 $0xF7A, s2;
	p2 =	seq.s32 @!p0 s5, $0x0  }
0x1f: {  	s9 =	smul.u32 $0xF7A, s1;
	s8 =	simm.s32 @!p0 $0x1BF5;
	p2 =	por !p2, p0  }
0x20: {  	[sflag:s8] =	ssyncset.s32 @!p0 $0xFFFFF086;
	s6 =	sadd.s32 @!p0 s3, s7;
	s7 =	simm.s32 @!p0 $0x108  }
0x21: {  	s3 =	sadd.s32 s3, s9;
	s6 =	sadd.s32 @!p0 $0x88, s6;
	s7 =	simm.s32 @p2 $0x1082  }
0x22: {  	[simem:s7], [sflag:s8] =	dma.local @!p0 [hbm:s6], $0xF7A  }
0x23: {  	s9 =	sor.u32 $0xD0000000, s2;
	s6 =	simm.s32 $0x108;
	_ =	swait.ge @!p0 [sflag:s8], $0x0  }
0x24: {  	s3 =	sadd.s32 $0x88, s3;
	s6 =	simm.s32 @!p1 $0x1082;
	[sflag:s4] =	ssyncset.s32 $0xFFFFF086  }
0x25: {  	[simem:s6], [sflag:s4] =	dma.local [hbm:s3], $0xF7A  }
0x26: {  	[smem:$0x3F92] =	sst s1;
	(tag) =	ssettag s2;
	_ =	strace s9  }
0x27: {  	s1 =	sld [smem:$0x3FA2]  }
0x28: {  	s2 =	sld [smem:$0x3FA3]  }
0x29: {  	s4 =	sld [smem:$0x3FA5]  }
0x2a: {  	p0 =	seq.s32 s5, $0x0;
	s5 =	sld [smem:$0x3FA6]  }
0x2b: {  	s6 =	sld [smem:$0x3FA7]  }
0x2c: {  	s7 =	sld [smem:$0x3FA8]  }
0x2d: {  	s3 =	simm.s32 $0x108;
	s8 =	sld [smem:$0x3FA9]  }
0x2e: {  	s3 =	simm.s32 @!p0 $0x1082;
	s9 =	sld [smem:$0x3FAA]  }
0x2f: {  	lr =	sadd.s32 s0, s3;
	s0 =	sld [smem:$0x3FA1]  }
0x30: {  	s3 =	sld [smem:$0x3FA4]  }
0x31: {  	[smem:$0x3FAD] =	sst s10  }
0x32: {  	s10 =	sld [smem:$0x3FAB];
	_ =	sdelay $0x3  }
0x33: {  	p0 =	seq.s32 s10, $0x1;
	s10 =	sld [smem:$0x3FAD];
	_ =	sdelay $0x3  }
0x34: {  	[smem:$0x3FAD] =	sst s10  }
0x35: {  	s10 =	sld [smem:$0x3FAC];
	_ =	sdelay $0x3  }
0x36: {  	p1 =	seq.s32 s10, $0x1;
	s10 =	sld [smem:$0x3FAD];
	_ =	sdelay $0x3  }
0x37: {  	[smem:$0x3FAD] =	sst s10  }
0x38: {  	s10 =	sld [smem:$0x3FAE]  }
0x39: {  	_ = 	snop;
	(pc) =	sbr.ind lr, $3  }
0x3a: {  	_ = 	snop  }
0x3b: {  	_ = 	snop  }
0x3c: {  	p2 =	seq.s32 s10, $0x1;
	s10 =	sld [smem:$0x3FAD]  }
0x3d: {  	_ =	shalt  }
0x3e: {  	_ =	shalt  }
0x3f: {  	_ =	shalt  }
0x40: {  	_ =	shalt  }
0x41: {  	_ =	shalt  }
0x42: {  	_ =	shalt  }
0x43: {  	_ =	shalt  }
0x44: {  	_ =	shalt  }
0x45: {  	_ =	shalt  }
0x46: {  	_ =	shalt  }
0x47: {  	_ =	shalt  }
0x48: {  	_ =	shalt  }
0x49: {  	_ =	shalt  }
0x4a: {  	_ =	shalt  }
0x4b: {  	_ =	shalt  }
0x4c: {  	_ =	shalt  }
0x4d: {  	_ =	shalt  }
0x4e: {  	_ =	shalt  }
0x4f: {  	_ =	shalt  }
0x50: {  	_ =	shalt  }
0x51: {  	_ =	shalt  }
0x52: {  	_ =	shalt  }
0x53: {  	_ =	shalt  }
0x54: {  	_ =	shalt  }
0x55: {  	_ =	shalt  }
0x56: {  	_ =	shalt  }
0x57: {  	_ =	shalt  }
0x58: {  	_ =	shalt  }
0x59: {  	_ =	shalt  }
0x5a: {  	_ =	shalt  }
0x5b: {  	_ =	shalt  }
0x5c: {  	_ =	shalt  }
0x5d: {  	_ =	shalt  }
0x5e: {  	_ =	shalt  }
0x5f: {  	_ =	shalt  }
0x60: {  	_ =	shalt  }
0x61: {  	_ =	shalt  }
0x62: {  	_ =	shalt  }
0x63: {  	_ =	shalt  }
0x64: {  	_ =	shalt  }
0x65: {  	_ =	shalt  }
0x66: {  	_ =	shalt  }
0x67: {  	_ =	shalt  }
0x68: {  	_ =	shalt  }
0x69: {  	_ =	shalt  }
0x6a: {  	_ =	shalt  }
0x6b: {  	_ =	shalt  }
0x6c: {  	_ =	shalt  }
0x6d: {  	_ =	shalt  }
0x6e: {  	_ =	shalt  }
0x6f: {  	_ =	shalt  }
0x70: {  	_ =	shalt  }
0x71: {  	_ =	shalt  }
0x72: {  	_ =	shalt  }
0x73: {  	_ =	shalt  }
0x74: {  	_ =	shalt  }
0x75: {  	_ =	shalt  }
0x76: {  	_ =	shalt  }
0x77: {  	_ =	shalt  }
0x78: {  	_ =	shalt  }
0x79: {  	_ =	shalt  }
0x7a: {  	_ =	shalt  }
0x7b: {  	_ =	shalt  }
0x7c: {  	_ =	shalt  }
0x7d: {  	_ =	shalt  }
0x7e: {  	_ =	shalt  }
0x7f: {  	_ =	shalt  }
0x80: {  	_ =	shalt  }
0x81: {  	_ =	shalt  }
0x82: {  	_ =	shalt  }
0x83: {  	_ =	shalt  }
0x84: {  	_ =	shalt  }
0x85: {  	_ =	shalt  }
0x86: {  	_ =	shalt  }
0x87: {  	_ =	shalt  }
.Lfunc_end0:
.L_simem_size_0:
called_computation_lowered:
.L_overlay_start_0:
0x88: {  	s2 =	sld [smem:$0x3FD9]  }
0x89: {  	s3 =	sld [smem:$0x3FFE];
	_ =	sdelay $0x1  }
0x8a: {  	s1 =	srdreg.scid  }
0x8b: {  	s0 =	sand.u32 $0x1, s1  }
0x8c: {  	s16 =	sshll.u32 s0, $0xA;
	s2 =	sadd.s32 s3, s2  }
0x8d: {  	s2 =	sadd.s32 s2, s16  }
0x8e: {  	[smem:$0x3FB9] =	sst s2  }
0x8f: {  	_ = 	snop  }
0x90: {  	(tm) =	ssettm $0x1  }
0x91: {  	s17 =	sld [smem:$0x3FFB];
	_ =	sdelay $0x3  }
0x92: {  	_ =	strace s17  }
0x93: {  	s2 =	sld [smem:$0x3FFC];
	_ =	sdelay $0x3  }
0x94: {  	_ =	strace s2  }
0x95: {  	s2 =	sld [smem:$0x3FFD];
	_ =	sdelay $0x3  }
0x96: {  	_ =	strace s2  }
0x97: {  	_ =	strace $0x8FFFFFFF  }
0x98: {  	s18 =	sld [smem:$0x3FDB];
	_ =	sdelay $0x1  }
0x99: {  	s19 =	simm.s32 $_scs_section_size  }
0x9a: {  	s4 =	simm.s32 $_size__tile_overlayer_lowered;
	s5 =	simm.s32 $_tile_overlayer_lowered  }
0x9b: {  	s22 =	simm.s32 $0x1BFF;
	s21 =	sshll.u32 s5, $0x1;
	s2 =	sadd.s32 s19, s18  }
0x9c: {  	s6 =	simm.s32 $0x0;
	s20 =	sshll.u32 s4, $0x1;
	s4 =	sadd.s32 s21, s2  }
0x9d: {  	[timem:s6], [sflag:s22] =	dma.local [hbm:s4], s20  }
0x9e: {  	_ =	swait.ge [sflag:s22], s20  }
0x9f: {  	s3 =	ssub.s32 $0x0, s20;
	[sflag:s22] =	ssyncset.done $0x0  }
0xa0: {  	[sflag:s22] =	ssyncadd.s32 s3;
	_ =	sdelay $0x1  }
0xa1: {  	s23 =	simm.s32 $0x1B8B  }
0xa2: {  	_ =	swait.ge [sflag:s23], $0x1  }
0xa3: {  	[sflag:s23] =	ssyncset.done $0x0  }
0xa4: {  	s25 =	simm.s32 $0x1B8E;
	s24 =	sld [smem:$0x3FFE];
	[sflag:s23] =	ssyncadd.s32 $0xFFFFFFFF  }
0xa5: {  	s26 =	simm.s32 $execute0_lowered;
	[smem:$0x3FD2] =	sst s25  }
0xa6: {  	s4 =	sshll.u32 s26, $0x1;
	_ =	strace $0x80000046;
	[dreg:$0x1] =	wrdreg $0xFFFFFFFF  }
0xa7: {  	s28 =	simm.s32 $_size_execute0_lowered;
	s2 =	sadd.s32 s2, s4;
	[dreg:$0x0] =	wrdreg $0x0  }
0xa8: {  	s4 =	sshll.u32 s28, $0x1;
	[dreg:$0x2] =	wrdreg s2  }
0xa9: {  	[dreg:$0x3] =	wrdreg s4  }
0xaa: {  	[dreg:$0x4] =	wrdreg $0xC0  }
0xab: {  	_ =	task [dreg:s6], $0x5FFFF  }
0xac: {  	[dreg:$0x1] =	wrdreg $0xFFFFFFFF  }
0xad: {  	[dreg:$0x0] =	wrdreg $0x60  }
0xae: {  	[dreg:$0x2] =	wrdreg s24  }
0xaf: {  	[dreg:$0x3] =	wrdreg $0x9  }
0xb0: {  	_ =	task.clear_ibuf [dreg:s6], $0x4FFFF;
	_ =	strace $0x90000046  }
0xb1: {  	s29 =	simm.s32 $0x9;
	_ =	strace $0x80000048  }
0xb2: {  	_ =	swait.ge [sflag:s29], $0x1  }
0xb3: {  	[sflag:s29] =	ssyncadd.s32 $0xFFFFFFFF  }
0xb4: {  	_ =	strace $0x90000048  }
0xb5: {  	_ =	sfence  }
0xb6: {  	s30 =	sld [smem:$0x0];
	_ =	sdelay $0x2  }
0xb7: {  	s31 =	sshll.u32 s1, $0xD;
	s1 =	sshrl.u32 s1, $0x2  }
0xb8: {  	s3 =	sand.u32 $0x4000, s31;
	s1 =	sadd.s32 s1, s30  }
0xb9: {  	s0 =	sor.u32 s3, s0;
	s1 =	sshll.u32 s1, $0x11  }
0xba: {  	s0 =	sor.u32 s1, s0  }
0xbb: {  	s0 =	sadd.s32 $0x8F2B, s0  }
0xbc: {  	[sflag:s0] =	ssyncadd.remote.s32 $0x1  }
0xbd: {  	_ =	sfence.sel $0xFFFF  }
0xbe: {  	[dreg:$0x0] =	wrdreg $0xFFFFFFFF;
	(pc) =	sbr.abs _section_cstart, $3  }
0xbf: {  	[dreg:$0x1] =	wrdreg $0xFFFFFFFF  }
0xc0: {  	_ =	task.clear_ibuf [dreg:s6], $0x2FFFF;
	_ =	strace $0x9FFFFFFF  }
0xc1: {  	(tm) =	ssettm $0x7FFFFFFF  }
tec
execute0_lowered:
.L_overlay_start_1:
0x0: {  	(tag) =	ssettag $0x1  }
0x1: {  	s8 =	rddreg [dreg:$0x0]  }
0x2: {  	s0 =	rddreg [dreg:$0x1];
	_ =	strace $0x80000047;
	s1 =	stileid.u32  }
0x3: {  	s3 =	srdreg.scid;
	s4 =	simm.s32 $0x1;
	s7 =	simm.s32 $0x1  }
0x4: {  	s9 =	simm.s32 $0x1;
	s10 =	simm.s32 $0x3;
	s13 =	simm.s32 $0x0  }
0x5: {  	s12 =	simm.s32 $0x0;
	s5 =	sand.u32 $0x1, s3;
	s6 =	sshll.u32 s1, $0x1  }
0x6: {  	s2 =	sadd.s32 $0x4000, s8;
	s3 =	sadd.s32 $0x7800, s8;
	s5 =	sor.u32 s6, s5  }
.Ltmp0:
0x7: {  	[sflag:s4] =	ssyncpa.u1 $0x0;
	p0 =	slt.u32 s5, $0xD;
	(pc) =	sbr.rel .LBB2_1-.Ltmp0, $4  }
0x8: {  	s6 =	simm.s32 $0x2;
	s7 =	simm.s32 @!p0 $0x0;
	p0 =	sne.s32 s5, $0xC  }
0x9: {  	[sflag:s6] =	ssyncpa.u1 $0x0;
	s5 =	smul.u32 $0x180, s5;
	s9 =	simm.s32 @!p0 $0x0  }
0xa: {  	s8 =	sadd.s32 $0x8C00, s8;
	[sflag:s10] =	ssyncpa.u1 $0x0;
	s7 =	sadd.s32 s9, s7  }
0xb: {  	vm0 =	vmmov $0xffff;
	s10 =	simm.s32 $0x0;
	s11 =	smov.u32 s5;
	s9 =	sadd.s32 $0x1, s7  }
.LBB2_4:
0xc: {  	v3 =	vand.u32 $0xF, v0;
	v4 =	vshrl.u32 v0, $0x2  }
0xd: {  	v60 =	vshrl.u32 v0, $0x4;
	v3 =	vmul.u32 $0x1400, v3;
	v4 =	vand.u32 $0x1F80, v4  }
0xe: {  	v0 =	vand.u32 $0x1F, v60;
	v4 =	vsel vm1, $0xFFFFFF80, v4  }
0xf: {  	v0 =	vsel vm1, $0xFFFFFFFF, v0;
	v3 =	vsel vm1, $0xFFFFEC00, v3;
	v5 =	vand.u32 $0xFFFFFC00, v4  }
0x10: {  	v61 =	vand.u32 $0xFFFFFC00, v0;
	v3 =	vadd.s32 v3, v5  }
0x11: {  	v1 =	vor.u32 v1, v2;
	v63 =	vand.u32 $0x380, v4;
	v62 =	vadd.s32 v61, v3  }
0x12: {  	v0 =	vand.u32 $0x7F, v0;
	v2 =	vor.u32 v63, v62  }
0x13: {  	v0 =	vor.u32 v0, v2;
	_ =	sdelay $0x1  }
0x14: {  	(ifvalue) =	ssetifvalue $0x7FFFFFFF;
	s15 =	sadd.s32 $0x10, s15  }
0x15: {  	[tilespmem:s15], [sflag:$0x1] =	stream.indirect_vreg.gather [hbm4b:s2+s10], $0x1, v1, vm0, $0x4038;
	[tilespmem:$0x600] =	vst v63  }
0x16: {  	(ifvalue) =	ssetifvalue $0x7FFFFFFF;
	s15 =	sadd.s32 $0x10, s15  }
0x17: {  	[tilespmem:s15], [sflag:$0x1] =	stream.indirect_vreg.gather [hbm4b:s2+s10], $0x1, v0, vm0, $0x4038;
	[tilespmem:$0x600] =	vst v63  }
0x18: {  	_ =	swait.ge [sflag:s4], $0x180  }
0x19: {  	s30 =	sshrl.u32 s13, $0x3;
	[sflag:s4] =	ssyncset.done $0x0  }
0x1a: {  	s31 =	sand.u32 $0x7, s13;
	s15 =	sadd.s32 s8, s30;
	[sflag:s4] =	ssyncadd.s32 $0xFFFFFE80  }
0x1b: {  	[hbm4b:s15+s31] =	stream.linear.scatter [tilespmem:s14], [sflag:$0x3], $0x180, $0x38;
	[tilespmem:$0x600] =	vst v63  }
.LBB2_5:
0x1c: {  	s15 =	sadd.s32 $0x3000, s11  }
0x1d: {  	p1 =	sgt.s32 s15, $0x41FF  }
0x1e: {  	s15 =	smov.u32 @p1 s5;
	p1 =	sne.s32 s12, s9  }
.Ltmp1:
0x1f: {  	p0 =	slt.u32 s12, $0x2;
	(pc) =	sbr.rel @!p1 .LBB2_6-.Ltmp1, $4  }
0x20: {  	s14 =	simm.s32 @!p0 $0x3  }
0x21: {  	_ =	swait.ge @!p0 [sflag:s14], $0x180  }
0x22: {  	s16 =	sadd.s32 $0x1, s12;
	s13 =	smov.u32 s11;
	[sflag:s14] =	ssyncset.done @!p0 $0x0  }
0x23: {  	s12 =	smov.u32 s16;
	s11 =	smov.u32 s15;
	[sflag:s14] =	ssyncadd.s32 @!p0 $0xFFFFFE80  }
.LBB2_1:
0x24: {  	p0 =	sge.u32 s12, s7  }
0x25: {  	s14 =	sxor.u32 @!p0 $0x1, s12  }
0x26: {  	s14 =	smul.u32 @!p0 $0x600, s14  }
0x27: {  	s31 =	sadd.s32 $0xFFFFFFFF, s12;
	s15 =	sshrl.u32 @!p0 s11, $0x3  }
0x28: {  	s16 =	sand.u32 @!p0 $0x7, s11;
	s15 =	sadd.s32 @!p0 s3, s15;
	s14 =	sshra.s32 @!p0 s14, $0x2  }
0x29: {  	[tilespmem:s14], [sflag:$0x2] =	stream.linear.gather @!p0 [hbm4b:s15+s16], $0x180, $0x38;
	[tilespmem:$0x600] =	vst v63  }
0x2a: {  	p0 =	sge.u32 s31, s7  }
.Ltmp2:
0x2b: {  	_ = 	snop;
	(pc) =	sbr.rel @p0 .LBB2_5-.Ltmp2, $1  }
0x2c: {  	_ =	sdelay $0x3  }
0x2d: {  	s14 =	sand.u32 $0x1, s12  }
0x2e: {  	_ =	swait.ge [sflag:s6], $0x180;
	p0 =	seq.s32 s14, $0x1;
	s14 =	simm.s32 $0x180  }
0x2f: {  	[sflag:s6] =	ssyncset.done $0x0;
	s14 =	simm.s32 @!p0 $0x0  }
0x30: {  	[sflag:s6] =	ssyncadd.s32 $0xFFFFFE80;
	(ifvalue) =	ssetifvalue $0x7FFFFFFF;
	v0 =	vld.msk [tilespmem:s14+$0x0 ss:$0x1], $0xffff  }
0x31: {  	s15 =	sadd.s32 $0x10, s14  }
0x32: {  	v3 =	vld.msk [tilespmem:s15+$0x0 ss:$0x1], $0xffff;
	_ =	sdelay $0x2  }
0x33: {  	vm1 =	veq.s32 v0, $0x80000000;
	v1 =	vand.u32 $0xF, v0;
	v2 =	vshrl.u32 v0, $0x2  }
0x34: {  	v0 =	vshrl.u32 v0, $0x4;
	v1 =	vmul.u32 $0x1400, v1;
	v2 =	vand.u32 $0x1F80, v2  }
0x35: {  	v0 =	vand.u32 $0x1F, v0;
	v62 =	vshrl.u32 v3, $0x2;
	v2 =	vsel vm1, $0xFFFFFF80, v2  }
0x36: {  	v0 =	vsel vm1, $0xFFFFFFFF, v0;
	v1 =	vsel vm1, $0xFFFFEC00, v1;
	v4 =	vand.u32 $0xFFFFFC00, v2  }
0x37: {  	v61 =	vand.u32 $0xFFFFFC00, v0;
	v2 =	vand.u32 $0x380, v2;
	v1 =	vadd.s32 v1, v4  }
0x38: {  	v0 =	vand.u32 $0x7F, v0;
	vm1 =	veq.s32 v3, $0x80000000;
	v1 =	vadd.s32 v61, v1  }
0x39: {  	s15 =	sadd.s32 $0x10, s15;
	v4 =	vand.u32 $0x1F80, v62;
	v1 =	vor.u32 v2, v1;
	v2 =	vand.u32 $0xF, v3  }
0x3a: {  	v3 =	vshrl.u32 v3, $0x4;
	v1 =	vor.u32 v0, v1;
	v0 =	vld.msk [tilespmem:s15+$0x0 ss:$0x1], $0xffff;
	v2 =	vmul.u32 $0x1400, v2  }
0x3b: {  	v4 =	vsel vm1, $0xFFFFFF80, v4;
	v3 =	vand.u32 $0x1F, v3  }
0x3c: {  	v5 =	vand.u32 $0xFFFFFC00, v4;
	v3 =	vsel vm1, $0xFFFFFFFF, v3;
	v2 =	vsel vm1, $0xFFFFEC00, v2  }
0x3d: {  	s16 =	simm.s32 $0x20;
	s14 =	sadd.s32 $0x300, s14;
	v63 =	vand.u32 $0xFFFFFC00, v3;
	v2 =	vadd.s32 v2, v5  }
0x3e: {  	s17 =	sadd.s32 $0x10, s15;
	v4 =	vand.u32 $0x380, v4;
	(ifvalue) =	ssetifvalue $0x7FFFFFFF;
	s15 =	smov.u32 s14;
	v2 =	vadd.s32 v63, v2  }
0x3f: {  	[tilespmem:s14], [sflag:$0x1] =	stream.indirect_vreg.gather [hbm4b:s2+s10], $0x1, v1, vm0, $0x4038;
	vm1 =	veq.s32 v0, $0x80000000;
	v1 =	vand.u32 $0x7F, v3;
	v2 =	vor.u32 v4, v2;
	[tilespmem:$0x600] =	vst v63  }
.LBB2_3:
0x40: {  	v3 =	vld.msk [tilespmem:s17+$0x0 ss:$0x1], $0xffff;
	v4 =	vand.u32 $0xF, v0;
	v5 =	vshrl.u32 v0, $0x2;
	v1 =	vor.u32 v1, v2;
	s16 =	sadd.s32 $0x10, s16  }
0x41: {  	v0 =	vshrl.u32 v0, $0x4;
	v2 =	vmul.u32 $0x1400, v4;
	v4 =	vand.u32 $0x1F80, v5;
	p0 =	slt.u32 s16, $0x170  }
.Ltmp3:
0x42: {  	v0 =	vand.u32 $0x1F, v0;
	v4 =	vsel vm1, $0xFFFFFF80, v4;
	(pc) =	sbr.rel @p0 .LBB2_3-.Ltmp3, $4  }
0x43: {  	v0 =	vsel vm1, $0xFFFFFFFF, v0;
	v2 =	vsel vm1, $0xFFFFEC00, v2;
	v5 =	vand.u32 $0xFFFFFC00, v4  }
0x44: {  	s15 =	sadd.s32 $0x10, s15;
	v2 =	vadd.s32 v2, v5;
	v5 =	vand.u32 $0xFFFFFC00, v0;
	(ifvalue) =	ssetifvalue $0x7FFFFFFF  }
0x45: {  	v4 =	vand.u32 $0x380, v4;
	v2 =	vadd.s32 v5, v2;
	[tilespmem:s15], [sflag:$0x1] =	stream.indirect_vreg.gather [hbm4b:s2+s10], $0x1, v1, vm0, $0x4038;
	[tilespmem:$0x600] =	vst v63  }
0x46: {  	s17 =	sadd.s32 $0x10, s17;
	vm1 =	veq.s32 v3, $0x80000000;
	v1 =	vand.u32 $0x7F, v0;
	v0 =	vmovc v3;
	v2 =	vor.u32 v4, v2  }
.Ltmp4:
0x47: {  	_ = 	snop;
	(pc) =	sbr.rel .LBB2_4-.Ltmp4, $1  }
0x48: {  	_ =	sdelay $0x3  }
.LBB2_6:
0x49: {  	_ =	sfence.sel $0x180000  }
0x4a: {  	s2 =	simm.s32 $0x2;
	[bflag:$0x0] =	sbarrier.arrive $0xFFFF  }
0x4b: {  	s30 =	simm.s32 $0x3;
	[sflag:s2] =	ssyncpa.u1 $0x1  }
0x4c: {  	s31 =	simm.s32 $0x1;
	[sflag:s30] =	ssyncpa.u1 $0x1  }
0x4d: {  	[sflag:s31] =	ssyncpa.u1 $0x1  }
0x4e: {  	p0 =	sne.s32 s1, $0x0;
	_ =	strace $0x90000047  }
0x4f: {  	s0 =	sadd.s32 @!p0 $0x100000, s0;
	[bflag:$0x2] =	sbarrier.arrive $0xFFFF  }
0x50: {  	[sflag:s0] =	ssyncadd.tile.s32 @!p0 $0x1;
	_ =	shalt  }
.Lfunc_end2:
_tile_overlayer_lowered:
.L_overlay_start_2:
0x51: {  	(tag) =	ssettag $0x2  }
0x52: {  	s0 =	rddreg [dreg:$0x0];
	s2 =	stileid.u32  }
0x53: {  	s1 =	rddreg [dreg:$0x1];
	p0 =	sne.s32 s2, $0x0  }
0x54: {  	s3 =	rddreg [dreg:$0x2];
	[bflag:$0x3] =	sbarrier.arrive $0xFFFF;
	s2 =	simm.s32 @!p0 $0x1C01  }
0x55: {  	[timem:s3], [sflag:s2] =	dma.local @!p0 [hbm:s0], s1  }
0x56: {  	s0 =	simm.s32 @!p0 $0x1  }
0x57: {  	_ =	swait.ge @!p0 [sflag:s0], s1  }
0x58: {  	s1 =	ssub.s32 @!p0 $0x0, s1;
	[sflag:s0] =	ssyncset.done @!p0 $0x0  }
0x59: {  	[sflag:s0] =	ssyncadd.s32 @!p0 s1  }
0x5a: {  	[bflag:$0x3] =	sbarrier.arrive $0xFFFF  }
0x5b: {  	_ =	shalt  }

</sc_bundles>
